<compile_context>
chip_gen: v7x
topology: tpu7x:2x2x1
jax: 0.10.2.dev20260603
libtpu: 0.0.44.dev20260713+nightly
codegen_flags: <defaults>
</compile_context>

<pallas_src>
import functools

import jax
import jax.numpy as jnp
from jax import lax
from jax.experimental import pallas as pl
from jax.experimental.pallas import tpu as pltpu
from jax.experimental.pallas import tpu_sc as plsc

EMB = 300
BATCH = 4096
WIN = 50
WINP = 56
NC, NS = 2, 16
NW = NC * NS
BPW = BATCH // NW
DMAIN = 256
DTAIL = EMB - DMAIN
DTAILP = 128


def _gather_src(e_hbm, idx_v, c, ncols):
    if ncols == e_hbm.shape[1]:
        return e_hbm.at[idx_v.at[c]]
    return e_hbm.at[idx_v.at[c], pl.ds(0, ncols)]


def _worker_id():
    return lax.axis_index("s") * NC + lax.axis_index("c")


def _acc_add(ref_slice, x):
    plsc.addupdate(ref_slice, x)


def _make_pool_body(ncols, nacc):

    def body(e_hbm, idx_hbm, out_hbm, idx_v, acc_v, buf_a, buf_b,
             sem_a, sem_b):
        w = _worker_id()
        pltpu.sync_copy(idx_hbm.at[w], idx_v)

        zero = jnp.zeros((16,), jnp.float32)
        nzero = ncols // 16
        nvec = nacc // 16

        def _zero_body(i, _):
            for k in range(nzero):
                acc_v[i, pl.ds(k * 16, 16)] = zero
            return 0

        lax.fori_loop(0, BPW, _zero_body, 0, unroll=False)

        def _fire(c, buf, sem):
            return pltpu.async_copy(_gather_src(e_hbm, idx_v, c, ncols),
                                    buf, sem)

        def _wait(c, buf, sem):
            pltpu.make_async_copy(_gather_src(e_hbm, idx_v, c, ncols),
                                  buf, sem).wait()

        def _accum(buf):
            def _add_body(i, _):
                for k in range(nvec):
                    sl = pl.ds(k * 16, 16)
                    _acc_add(acc_v.at[i, sl], buf[i, sl])
                return 0

            lax.fori_loop(0, BPW, _add_body, 0, unroll=False)

        _fire(0, buf_a, sem_a)
        _fire(1, buf_b, sem_b)

        def _chunk_body(i, _):
            c = 2 * i
            _wait(c, buf_a, sem_a)
            _accum(buf_a)

            @pl.when(c + 2 < WIN)
            def _():
                _fire(c + 2, buf_a, sem_a)

            _wait(c + 1, buf_b, sem_b)
            _accum(buf_b)

            @pl.when(c + 3 < WIN)
            def _():
                _fire(c + 3, buf_b, sem_b)

            return 0

        lax.fori_loop(0, (WIN + 1) // 2, _chunk_body, 0, unroll=False)

        pltpu.sync_copy(acc_v, out_hbm.at[w])

    return body


def _make_pool(ncols, nacc):
    mesh = plsc.VectorSubcoreMesh(core_axis_name="c", subcore_axis_name="s",
                                  num_cores=NC, num_subcores=NS)
    return pl.kernel(
        _make_pool_body(ncols, nacc),
        out_type=jax.ShapeDtypeStruct((NW, BPW, ncols), jnp.float32),
        mesh=mesh,
        scratch_types=[
            pltpu.VMEM((WINP, BPW), jnp.int32),
            pltpu.VMEM((BPW, ncols), jnp.float32),
            pltpu.VMEM((BPW, ncols), jnp.float32),
            pltpu.VMEM((BPW, ncols), jnp.float32),
            pltpu.SemaphoreType.DMA,
            pltpu.SemaphoreType.DMA,
        ],
        name=f"embed_pool_sc_{ncols}",
    )


@jax.jit
def _pool_main(E, idx_grp):
    return _make_pool(DMAIN, DMAIN)(E, idx_grp)


@jax.jit
def _pool_tail(E, idx_grp):
    mesh = plsc.VectorSubcoreMesh(core_axis_name="c", subcore_axis_name="s",
                                  num_cores=NC, num_subcores=NS)
    return pl.kernel(
        _tail_body,
        out_type=jax.ShapeDtypeStruct((NW, BPW, DTAILP), jnp.float32),
        mesh=mesh,
        scratch_types=[
            pltpu.VMEM((WINP, BPW), jnp.int32),
            pltpu.VMEM((BPW, DTAILP), jnp.float32),
            pltpu.VMEM((BPW, DTAIL), jnp.float32),
            pltpu.VMEM((BPW, DTAIL), jnp.float32),
            pltpu.SemaphoreType.DMA,
            pltpu.SemaphoreType.DMA,
        ],
        name="embed_pool_sc_tail",
    )(E, idx_grp)


def _tail_body(e_hbm, idx_hbm, out_hbm, idx_v, acc_v, buf_a, buf_b,
               sem_a, sem_b):
    w = _worker_id()
    pltpu.sync_copy(idx_hbm.at[w], idx_v)

    zero = jnp.zeros((16,), jnp.float32)
    ovl = DTAIL - 16
    ovl_mask = lax.iota(jnp.int32, 16) < (32 - ovl)

    def _zero_body(i, _):
        for k in range(3):
            acc_v[i, pl.ds(k * 16, 16)] = zero
        return 0

    lax.fori_loop(0, BPW, _zero_body, 0, unroll=False)

    def _fire(c, buf, sem):
        def _fire_body(t16, _):
            v = idx_v[c, pl.ds(t16 * 16, 16)]
            for l in range(16):
                r = v[l]
                pltpu.async_copy(
                    e_hbm.at[pl.ds(r, 1), pl.ds(DMAIN, DTAIL)],
                    buf.at[pl.ds(t16 * 16 + l, 1)], sem)
            return 0

        lax.fori_loop(0, BPW // 16, _fire_body, 0, unroll=False)

    def _wait_all(buf, sem):
        pltpu.make_async_copy(e_hbm.at[pl.ds(0, BPW), pl.ds(DMAIN, DTAIL)],
                              buf, sem).wait()

    def _accum(buf):
        def _add_body(i, _):
            for k in range(2):
                sl = pl.ds(k * 16, 16)
                _acc_add(acc_v.at[i, sl], buf[i, sl])
            t = buf[i, pl.ds(ovl, 16)]
            t = jnp.where(ovl_mask, 0.0, t)
            _acc_add(acc_v.at[i, pl.ds(ovl, 16)], t)
            return 0

        lax.fori_loop(0, BPW, _add_body, 0, unroll=False)

    _fire(0, buf_a, sem_a)
    _fire(1, buf_b, sem_b)

    def _chunk_body(i, _):
        c = 2 * i
        _wait_all(buf_a, sem_a)
        _accum(buf_a)

        @pl.when(c + 2 < WIN)
        def _():
            _fire(c + 2, buf_a, sem_a)

        _wait_all(buf_b, sem_b)
        _accum(buf_b)

        @pl.when(c + 3 < WIN)
        def _():
            _fire(c + 3, buf_b, sem_b)

        return 0

    lax.fori_loop(0, (WIN + 1) // 2, _chunk_body, 0, unroll=False)

    pltpu.sync_copy(acc_v, out_hbm.at[w])


def _leaky(x):
    return jnp.where(x >= 0, x, 0.3 * x)


def _mlp_kernel(x_ref, w1_ref, b1_ref, w2_ref, b2_ref, wo_ref, bo_ref,
                out_ref):
    x = x_ref[...]
    h1 = _leaky(jnp.dot(x, w1_ref[...],
                        preferred_element_type=jnp.float32) + b1_ref[...])
    h2 = _leaky(jnp.dot(h1, w2_ref[...],
                        preferred_element_type=jnp.float32) + b2_ref[...])
    logits = jnp.dot(h2, wo_ref[...],
                     preferred_element_type=jnp.float32) + bo_ref[...]
    z = logits - jnp.max(logits, axis=-1, keepdims=True)
    e = jnp.exp(z)
    out_ref[...] = e / jnp.sum(e, axis=-1, keepdims=True)


def _mlp(pooled, W1, b1, W2, b2, Wout, bout):
    BB = 512
    grid = (BATCH // BB,)
    h1, h2, no = W1.shape[1], W2.shape[1], Wout.shape[1]
    return pl.pallas_call(
        _mlp_kernel,
        grid=grid,
        in_specs=[
            pl.BlockSpec((BB, EMB), lambda i: (i, 0)),
            pl.BlockSpec((EMB, h1), lambda i: (0, 0)),
            pl.BlockSpec((1, h1), lambda i: (0, 0)),
            pl.BlockSpec((h1, h2), lambda i: (0, 0)),
            pl.BlockSpec((1, h2), lambda i: (0, 0)),
            pl.BlockSpec((h2, no), lambda i: (0, 0)),
            pl.BlockSpec((1, no), lambda i: (0, 0)),
        ],
        out_specs=pl.BlockSpec((BB, no), lambda i: (i, 0)),
        out_shape=jax.ShapeDtypeStruct((BATCH, no), jnp.float32),
    )(pooled, W1, b1.reshape(1, h1), W2, b2.reshape(1, h2),
      Wout, bout.reshape(1, no))


def kernel(inputs, E, W1, b1, W2, b2, Wout, bout):
    idx = inputs.astype(jnp.int32)
    idx_grp = jnp.pad(idx.reshape(NW, BPW, WIN).transpose(0, 2, 1),
                      ((0, 0), (0, WINP - WIN), (0, 0)))
    p_main = _pool_main(E, idx_grp).reshape(BATCH, DMAIN)
    p_tail = _pool_tail(E, idx_grp).reshape(BATCH, DTAILP)[:, :DTAIL]
    pooled = jnp.concatenate([p_main, p_tail], axis=1)
    return _mlp(pooled, W1, b1, W2, b2, Wout, bout)

# --- scband reference (transcript-rebuilt; emitter-appended) ---
"""Pipeline reference for scband-model-20409684590671 (READ-ONLY COPY).

The authoritative reference and input builder live on the scoring server;
editing this copy changes nothing except your own understanding.
"""

import jax, jax.numpy as jnp
import numpy as np

VOCAB = 1000000
EMB = 300
H1 = 256
H2 = 128
BATCH = 4096
WIN = 50

def setup_inputs(seed: int = 0) -> dict:
    key = jax.random.key(seed)
    ks = jax.random.split(key, 8)
    inputs = jax.random.randint(ks[0], (BATCH, WIN), 0, VOCAB, dtype=jnp.int64 if jax.config.jax_enable_x64 else jnp.int32)
    E = jax.random.normal(ks[1], (VOCAB, EMB), dtype=jnp.float32) * 0.02
    W1 = jax.random.normal(ks[2], (EMB, H1), dtype=jnp.float32) * (1.0 / np.sqrt(EMB))
    b1 = jnp.zeros((H1,), dtype=jnp.float32)
    W2 = jax.random.normal(ks[3], (H1, H2), dtype=jnp.float32) * (1.0 / np.sqrt(H1))
    b2 = jnp.zeros((H2,), dtype=jnp.float32)
    Wout = jax.random.normal(ks[4], (H2, 2), dtype=jnp.float32) * (1.0 / np.sqrt(H2))
    bout = jnp.zeros((2,), dtype=jnp.float32)
    return {"inputs": inputs, "E": E, "W1": W1, "b1": b1, "W2": W2, "b2": b2, "Wout": Wout, "bout": bout}

def _leaky(x, alpha=0.3):
    # keras LeakyReLU default alpha = 0.3
    return jnp.where(x >= 0, x, alpha * x)

def reference(inputs, E, W1, b1, W2, b2, Wout, bout):
    # embedding gather: [B, W] -> [B, W, EMB]
    embeddings = jnp.take(E, inputs, axis=0)
    # sum over window dimension
    output_state = jnp.sum(embeddings, axis=1)
    hidden1 = _leaky(output_state @ W1 + b1)
    hidden2 = _leaky(hidden1 @ W2 + b2)
    logits = jax.nn.softmax(hidden2 @ Wout + bout, axis=-1)
    return logits

if __name__ == "__main__":
    import jax
    _d = setup_inputs()
    print(jax.jit(kernel)(*tuple(_d.values())))

</pallas_src>

<mosaic_0001>
#map = affine_map<(d0, d1) -> (0, 0)>
#map1 = affine_map<(d0, d1) -> (0, 0, 0)>
module attributes {stable_mosaic.version = 14 : i64} {
  func.func @embed_pool_sc_256(%arg0: i32, %arg1: i32, %arg2: memref<1000000x300xf32, #tpu.memory_space<hbm>>, %arg3: memref<32x56x128xi32, #tpu.memory_space<hbm>>, %arg4: memref<32x128x256xf32, #tpu.memory_space<hbm>>, %arg5: memref<56x128xi32, #tpu.memory_space<vmem>>, %arg6: memref<128x256xf32, #tpu.memory_space<vmem>>, %arg7: memref<128x256xf32, #tpu.memory_space<vmem>>, %arg8: memref<128x256xf32, #tpu.memory_space<vmem>>, %arg9: memref<!tpu.dma_semaphore, #tpu.memory_space<semaphore_mem>>, %arg10: memref<!tpu.dma_semaphore, #tpu.memory_space<semaphore_mem>>) attributes {dimension_semantics = [#tpu.dimension_semantics<core_parallel>, #tpu.dimension_semantics<subcore_parallel>], iteration_bounds = array<i64: 2, 16>, scalar_prefetch = 0 : i64, scratch_operands = 6 : i64, tpu.core_type = #tpu.core_type<sc_vector_subcore>, window_params = [{transform_indices = #map}, {transform_indices = #map1}, {transform_indices = #map1}]} {
    %mul3A = arith.constant 2 : i32
    %mul3A_0 = arith.muli %arg1, %mul3A : i32
    %add3A = arith.addi %mul3A_0, %arg0 : i32
    "tpu.region"() ({
      %run_scoped3A = tpu.sem_alloc : memref<!tpu.dma_semaphore, #tpu.memory_space<semaphore_mem>>
      %dma_start3A_28 = arith.constant 0 : i32
      %dma_start3A_29 = arith.constant 0 : i32
      %dma_start3A_30 = tpu.memref_slice %arg3[%add3A, %dma_start3A_28, %dma_start3A_29] : memref<32x56x128xi32, #tpu.memory_space<hbm>> -> memref<1x56x128xi32, #tpu.memory_space<hbm>>
      %dma_start3A_31 = tpu.memref_squeeze %dma_start3A_30 : memref<1x56x128xi32, #tpu.memory_space<hbm>> -> memref<56x128xi32, #tpu.memory_space<hbm>>
      %dma_start3A_32 = arith.constant 0 : i32
      %dma_start3A_33 = arith.constant 0 : i32
      %dma_start3A_34 = tpu.memref_slice %arg3[%add3A, %dma_start3A_32, %dma_start3A_33] : memref<32x56x128xi32, #tpu.memory_space<hbm>> -> memref<1x56x128xi32, #tpu.memory_space<hbm>>
      %dma_start3A_35 = tpu.memref_squeeze %dma_start3A_34 : memref<1x56x128xi32, #tpu.memory_space<hbm>> -> memref<56x128xi32, #tpu.memory_space<hbm>>
      tpu.enqueue_dma source(%dma_start3A_35 : memref<56x128xi32, #tpu.memory_space<hbm>>) target(%arg5 : memref<56x128xi32, #tpu.memory_space<vmem>>) target_semaphore(%run_scoped3A : memref<!tpu.dma_semaphore, #tpu.memory_space<semaphore_mem>>)
      %dma_wait3A = arith.constant 0 : i32
      %dma_wait3A_36 = arith.constant 0 : i32
      %dma_wait3A_37 = tpu.memref_slice %arg3[%add3A, %dma_wait3A, %dma_wait3A_36] : memref<32x56x128xi32, #tpu.memory_space<hbm>> -> memref<1x56x128xi32, #tpu.memory_space<hbm>>
      %dma_wait3A_38 = tpu.memref_squeeze %dma_wait3A_37 : memref<1x56x128xi32, #tpu.memory_space<hbm>> -> memref<56x128xi32, #tpu.memory_space<hbm>>
      %dma_wait3A_39 = arith.constant 0 : i32
      %dma_wait3A_40 = arith.constant 0 : i32
      %dma_wait3A_41 = tpu.memref_slice %arg3[%add3A, %dma_wait3A_39, %dma_wait3A_40] : memref<32x56x128xi32, #tpu.memory_space<hbm>> -> memref<1x56x128xi32, #tpu.memory_space<hbm>>
      %dma_wait3A_42 = tpu.memref_squeeze %dma_wait3A_41 : memref<1x56x128xi32, #tpu.memory_space<hbm>> -> memref<56x128xi32, #tpu.memory_space<hbm>>
      tpu.wait_dma2 semaphore(%run_scoped3A : memref<!tpu.dma_semaphore, #tpu.memory_space<semaphore_mem>>) src(%dma_wait3A_42 : memref<56x128xi32, #tpu.memory_space<hbm>>) dst(%arg5 : memref<56x128xi32, #tpu.memory_space<vmem>>)
      tpu.yield
    }) : () -> ()
    %broadcast_in_dim3A = arith.constant 0.000000e+00 : f32
    %broadcast_in_dim3A_1 = vector.broadcast %broadcast_in_dim3A : f32 to vector<16xf32>
    %scan3A = arith.constant 0 : i32
    %scan3A_2 = arith.constant 0 : i32
    %scan3A_3 = arith.constant 128 : i32
    %scan3A_4 = arith.addi %scan3A_2, %scan3A_3 : i32
    %scan3A_5 = arith.constant 1 : i32
    %scan3A_6 = scf.for %scan3A_28 = %scan3A_2 to %scan3A_4 step %scan3A_5 iter_args(%scan3A_29 = %scan3A) -> (i32)  : i32 {
      %swap3A = arith.index_cast %scan3A_28 : i32 to index
      %swap3A_30 = arith.constant 0 : index
      %swap3A_31 = tpu.vector_load %arg6[%swap3A, %swap3A_30] {strides = array<i32>} : memref<128x256xf32, #tpu.memory_space<vmem>>, vector<1x16xf32>,
      %swap3A_32 = vector.shape_cast %swap3A_31 : vector<1x16xf32> to vector<16xf32>
      %swap3A_33 = vector.shape_cast %broadcast_in_dim3A_1 : vector<16xf32> to vector<1x16xf32>
      tpu.vector_store %arg6[%swap3A, %swap3A_30], %swap3A_33 {strides = array<i32>} : memref<128x256xf32, #tpu.memory_space<vmem>>, vector<1x16xf32>,
      %swap3A_34 = arith.index_cast %scan3A_28 : i32 to index
      %swap3A_35 = arith.constant 16 : index
      %swap3A_36 = tpu.vector_load %arg6[%swap3A_34, %swap3A_35] {strides = array<i32>} : memref<128x256xf32, #tpu.memory_space<vmem>>, vector<1x16xf32>,
      %swap3A_37 = vector.shape_cast %swap3A_36 : vector<1x16xf32> to vector<16xf32>
      %swap3A_38 = vector.shape_cast %broadcast_in_dim3A_1 : vector<16xf32> to vector<1x16xf32>
      tpu.vector_store %arg6[%swap3A_34, %swap3A_35], %swap3A_38 {strides = array<i32>} : memref<128x256xf32, #tpu.memory_space<vmem>>, vector<1x16xf32>,
      %swap3A_39 = arith.index_cast %scan3A_28 : i32 to index
      %swap3A_40 = arith.constant 32 : index
      %swap3A_41 = tpu.vector_load %arg6[%swap3A_39, %swap3A_40] {strides = array<i32>} : memref<128x256xf32, #tpu.memory_space<vmem>>, vector<1x16xf32>,
      %swap3A_42 = vector.shape_cast %swap3A_41 : vector<1x16xf32> to vector<16xf32>
      %swap3A_43 = vector.shape_cast %broadcast_in_dim3A_1 : vector<16xf32> to vector<1x16xf32>
      tpu.vector_store %arg6[%swap3A_39, %swap3A_40], %swap3A_43 {strides = array<i32>} : memref<128x256xf32, #tpu.memory_space<vmem>>, vector<1x16xf32>,
      %swap3A_44 = arith.index_cast %scan3A_28 : i32 to index
      %swap3A_45 = arith.constant 48 : index
      %swap3A_46 = tpu.vector_load %arg6[%swap3A_44, %swap3A_45] {strides = array<i32>} : memref<128x256xf32, #tpu.memory_space<vmem>>, vector<1x16xf32>,
      %swap3A_47 = vector.shape_cast %swap3A_46 : vector<1x16xf32> to vector<16xf32>
      %swap3A_48 = vector.shape_cast %broadcast_in_dim3A_1 : vector<16xf32> to vector<1x16xf32>
      tpu.vector_store %arg6[%swap3A_44, %swap3A_45], %swap3A_48 {strides = array<i32>} : memref<128x256xf32, #tpu.memory_space<vmem>>, vector<1x16xf32>,
      %swap3A_49 = arith.index_cast %scan3A_28 : i32 to index
      %swap3A_50 = arith.constant 64 : index
      %swap3A_51 = tpu.vector_load %arg6[%swap3A_49, %swap3A_50] {strides = array<i32>} : memref<128x256xf32, #tpu.memory_space<vmem>>, vector<1x16xf32>,
      %swap3A_52 = vector.shape_cast %swap3A_51 : vector<1x16xf32> to vector<16xf32>
      %swap3A_53 = vector.shape_cast %broadcast_in_dim3A_1 : vector<16xf32> to vector<1x16xf32>
      tpu.vector_store %arg6[%swap3A_49, %swap3A_50], %swap3A_53 {strides = array<i32>} : memref<128x256xf32, #tpu.memory_space<vmem>>, vector<1x16xf32>,
      %swap3A_54 = arith.index_cast %scan3A_28 : i32 to index
      %swap3A_55 = arith.constant 80 : index
      %swap3A_56 = tpu.vector_load %arg6[%swap3A_54, %swap3A_55] {strides = array<i32>} : memref<128x256xf32, #tpu.memory_space<vmem>>, vector<1x16xf32>,
      %swap3A_57 = vector.shape_cast %swap3A_56 : vector<1x16xf32> to vector<16xf32>
      %swap3A_58 = vector.shape_cast %broadcast_in_dim3A_1 : vector<16xf32> to vector<1x16xf32>
      tpu.vector_store %arg6[%swap3A_54, %swap3A_55], %swap3A_58 {strides = array<i32>} : memref<128x256xf32, #tpu.memory_space<vmem>>, vector<1x16xf32>,
      %swap3A_59 = arith.index_cast %scan3A_28 : i32 to index
      %swap3A_60 = arith.constant 96 : index
      %swap3A_61 = tpu.vector_load %arg6[%swap3A_59, %swap3A_60] {strides = array<i32>} : memref<128x256xf32, #tpu.memory_space<vmem>>, vector<1x16xf32>,
      %swap3A_62 = vector.shape_cast %swap3A_61 : vector<1x16xf32> to vector<16xf32>
      %swap3A_63 = vector.shape_cast %broadcast_in_dim3A_1 : vector<16xf32> to vector<1x16xf32>
      tpu.vector_store %arg6[%swap3A_59, %swap3A_60], %swap3A_63 {strides = array<i32>} : memref<128x256xf32, #tpu.memory_space<vmem>>, vector<1x16xf32>,
      %swap3A_64 = arith.index_cast %scan3A_28 : i32 to index
      %swap3A_65 = arith.constant 112 : index
      %swap3A_66 = tpu.vector_load %arg6[%swap3A_64, %swap3A_65] {strides = array<i32>} : memref<128x256xf32, #tpu.memory_space<vmem>>, vector<1x16xf32>,
      %swap3A_67 = vector.shape_cast %swap3A_66 : vector<1x16xf32> to vector<16xf32>
      %swap3A_68 = vector.shape_cast %broadcast_in_dim3A_1 : vector<16xf32> to vector<1x16xf32>
      tpu.vector_store %arg6[%swap3A_64, %swap3A_65], %swap3A_68 {strides = array<i32>} : memref<128x256xf32, #tpu.memory_space<vmem>>, vector<1x16xf32>,
      %swap3A_69 = arith.index_cast %scan3A_28 : i32 to index
      %swap3A_70 = arith.constant 128 : index
      %swap3A_71 = tpu.vector_load %arg6[%swap3A_69, %swap3A_70] {strides = array<i32>} : memref<128x256xf32, #tpu.memory_space<vmem>>, vector<1x16xf32>,
      %swap3A_72 = vector.shape_cast %swap3A_71 : vector<1x16xf32> to vector<16xf32>
      %swap3A_73 = vector.shape_cast %broadcast_in_dim3A_1 : vector<16xf32> to vector<1x16xf32>
      tpu.vector_store %arg6[%swap3A_69, %swap3A_70], %swap3A_73 {strides = array<i32>} : memref<128x256xf32, #tpu.memory_space<vmem>>, vector<1x16xf32>,
      %swap3A_74 = arith.index_cast %scan3A_28 : i32 to index
      %swap3A_75 = arith.constant 144 : index
      %swap3A_76 = tpu.vector_load %arg6[%swap3A_74, %swap3A_75] {strides = array<i32>} : memref<128x256xf32, #tpu.memory_space<vmem>>, vector<1x16xf32>,
      %swap3A_77 = vector.shape_cast %swap3A_76 : vector<1x16xf32> to vector<16xf32>
      %swap3A_78 = vector.shape_cast %broadcast_in_dim3A_1 : vector<16xf32> to vector<1x16xf32>
      tpu.vector_store %arg6[%swap3A_74, %swap3A_75], %swap3A_78 {strides = array<i32>} : memref<128x256xf32, #tpu.memory_space<vmem>>, vector<1x16xf32>,
      %swap3A_79 = arith.index_cast %scan3A_28 : i32 to index
      %swap3A_80 = arith.constant 160 : index
      %swap3A_81 = tpu.vector_load %arg6[%swap3A_79, %swap3A_80] {strides = array<i32>} : memref<128x256xf32, #tpu.memory_space<vmem>>, vector<1x16xf32>,
      %swap3A_82 = vector.shape_cast %swap3A_81 : vector<1x16xf32> to vector<16xf32>
      %swap3A_83 = vector.shape_cast %broadcast_in_dim3A_1 : vector<16xf32> to vector<1x16xf32>
      tpu.vector_store %arg6[%swap3A_79, %swap3A_80], %swap3A_83 {strides = array<i32>} : memref<128x256xf32, #tpu.memory_space<vmem>>, vector<1x16xf32>,
      %swap3A_84 = arith.index_cast %scan3A_28 : i32 to index
      %swap3A_85 = arith.constant 176 : index
      %swap3A_86 = tpu.vector_load %arg6[%swap3A_84, %swap3A_85] {strides = array<i32>} : memref<128x256xf32, #tpu.memory_space<vmem>>, vector<1x16xf32>,
      %swap3A_87 = vector.shape_cast %swap3A_86 : vector<1x16xf32> to vector<16xf32>
      %swap3A_88 = vector.shape_cast %broadcast_in_dim3A_1 : vector<16xf32> to vector<1x16xf32>
      tpu.vector_store %arg6[%swap3A_84, %swap3A_85], %swap3A_88 {strides = array<i32>} : memref<128x256xf32, #tpu.memory_space<vmem>>, vector<1x16xf32>,
      %swap3A_89 = arith.index_cast %scan3A_28 : i32 to index
      %swap3A_90 = arith.constant 192 : index
      %swap3A_91 = tpu.vector_load %arg6[%swap3A_89, %swap3A_90] {strides = array<i32>} : memref<128x256xf32, #tpu.memory_space<vmem>>, vector<1x16xf32>,
      %swap3A_92 = vector.shape_cast %swap3A_91 : vector<1x16xf32> to vector<16xf32>
      %swap3A_93 = vector.shape_cast %broadcast_in_dim3A_1 : vector<16xf32> to vector<1x16xf32>
      tpu.vector_store %arg6[%swap3A_89, %swap3A_90], %swap3A_93 {strides = array<i32>} : memref<128x256xf32, #tpu.memory_space<vmem>>, vector<1x16xf32>,
      %swap3A_94 = arith.index_cast %scan3A_28 : i32 to index
      %swap3A_95 = arith.constant 208 : index
      %swap3A_96 = tpu.vector_load %arg6[%swap3A_94, %swap3A_95] {strides = array<i32>} : memref<128x256xf32, #tpu.memory_space<vmem>>, vector<1x16xf32>,
      %swap3A_97 = vector.shape_cast %swap3A_96 : vector<1x16xf32> to vector<16xf32>
      %swap3A_98 = vector.shape_cast %broadcast_in_dim3A_1 : vector<16xf32> to vector<1x16xf32>
      tpu.vector_store %arg6[%swap3A_94, %swap3A_95], %swap3A_98 {strides = array<i32>} : memref<128x256xf32, #tpu.memory_space<vmem>>, vector<1x16xf32>,
      %swap3A_99 = arith.index_cast %scan3A_28 : i32 to index
      %swap3A_100 = arith.constant 224 : index
      %swap3A_101 = tpu.vector_load %arg6[%swap3A_99, %swap3A_100] {strides = array<i32>} : memref<128x256xf32, #tpu.memory_space<vmem>>, vector<1x16xf32>,
      %swap3A_102 = vector.shape_cast %swap3A_101 : vector<1x16xf32> to vector<16xf32>
      %swap3A_103 = vector.shape_cast %broadcast_in_dim3A_1 : vector<16xf32> to vector<1x16xf32>
      tpu.vector_store %arg6[%swap3A_99, %swap3A_100], %swap3A_103 {strides = array<i32>} : memref<128x256xf32, #tpu.memory_space<vmem>>, vector<1x16xf32>,
      %swap3A_104 = arith.index_cast %scan3A_28 : i32 to index
      %swap3A_105 = arith.constant 240 : index
      %swap3A_106 = tpu.vector_load %arg6[%swap3A_104, %swap3A_105] {strides = array<i32>} : memref<128x256xf32, #tpu.memory_space<vmem>>, vector<1x16xf32>,
      %swap3A_107 = vector.shape_cast %swap3A_106 : vector<1x16xf32> to vector<16xf32>
      %swap3A_108 = vector.shape_cast %broadcast_in_dim3A_1 : vector<16xf32> to vector<1x16xf32>
      tpu.vector_store %arg6[%swap3A_104, %swap3A_105], %swap3A_108 {strides = array<i32>} : memref<128x256xf32, #tpu.memory_space<vmem>>, vector<1x16xf32>,
      %scan3A_109 = arith.constant 0 : i32
      scf.yield %scan3A_109 : i32
    }
    %scan3A_7 = arith.constant 128 : i32
    %dma_start3A = arith.constant 0 : i32
    %dma_start3A_8 = arith.constant 0 : i32
    %dma_start3A_9 = tpu.memref_slice %arg5[%dma_start3A, %dma_start3A_8] : memref<56x128xi32, #tpu.memory_space<vmem>> -> memref<1x128xi32, #tpu.memory_space<vmem>>
    %dma_start3A_10 = tpu.memref_squeeze %dma_start3A_9 : memref<1x128xi32, #tpu.memory_space<vmem>> -> memref<128xi32, #tpu.memory_space<vmem>>
    %dma_start3A_11 = arith.constant 0 : i32
    %dma_start3A_12 = arith.constant 0 : i32
    %dma_start3A_13 = tpu.memref_slice %arg2[%dma_start3A_11, %dma_start3A_12] : memref<1000000x300xf32, #tpu.memory_space<hbm>> -> memref<1000000x256xf32, #tpu.memory_space<hbm>>
    tpu.enqueue_indirect_dma source(%dma_start3A_13 : memref<1000000x256xf32, #tpu.memory_space<hbm>>) target(%arg7 : memref<128x256xf32, #tpu.memory_space<vmem>>) offsets(%dma_start3A_10 : memref<128xi32, #tpu.memory_space<vmem>>) semaphore(%arg9 : memref<!tpu.dma_semaphore, #tpu.memory_space<semaphore_mem>>)
    %dma_start3A_14 = arith.constant 1 : i32
    %dma_start3A_15 = arith.constant 0 : i32
    %dma_start3A_16 = tpu.memref_slice %arg5[%dma_start3A_14, %dma_start3A_15] : memref<56x128xi32, #tpu.memory_space<vmem>> -> memref<1x128xi32, #tpu.memory_space<vmem>>
    %dma_start3A_17 = tpu.memref_squeeze %dma_start3A_16 : memref<1x128xi32, #tpu.memory_space<vmem>> -> memref<128xi32, #tpu.memory_space<vmem>>
    %dma_start3A_18 = arith.constant 0 : i32
    %dma_start3A_19 = arith.constant 0 : i32
    %dma_start3A_20 = tpu.memref_slice %arg2[%dma_start3A_18, %dma_start3A_19] : memref<1000000x300xf32, #tpu.memory_space<hbm>> -> memref<1000000x256xf32, #tpu.memory_space<hbm>>
    tpu.enqueue_indirect_dma source(%dma_start3A_20 : memref<1000000x256xf32, #tpu.memory_space<hbm>>) target(%arg8 : memref<128x256xf32, #tpu.memory_space<vmem>>) offsets(%dma_start3A_17 : memref<128xi32, #tpu.memory_space<vmem>>) semaphore(%arg10 : memref<!tpu.dma_semaphore, #tpu.memory_space<semaphore_mem>>)
    %scan3A_21 = arith.constant 0 : i32
    %scan3A_22 = arith.constant 0 : i32
    %scan3A_23 = arith.constant 25 : i32
    %scan3A_24 = arith.addi %scan3A_22, %scan3A_23 : i32
    %scan3A_25 = arith.constant 1 : i32
    %scan3A_26 = scf.for %scan3A_28 = %scan3A_22 to %scan3A_24 step %scan3A_25 iter_args(%scan3A_29 = %scan3A_21) -> (i32)  : i32 {
      %mul3A_30 = arith.constant 2 : i32
      %mul3A_31 = arith.muli %mul3A_30, %scan3A_28 : i32
      %dma_wait3A = arith.constant 0 : i32
      %dma_wait3A_32 = tpu.memref_slice %arg5[%mul3A_31, %dma_wait3A] : memref<56x128xi32, #tpu.memory_space<vmem>> -> memref<1x128xi32, #tpu.memory_space<vmem>>
      %dma_wait3A_33 = tpu.memref_squeeze %dma_wait3A_32 : memref<1x128xi32, #tpu.memory_space<vmem>> -> memref<128xi32, #tpu.memory_space<vmem>>
      %dma_wait3A_34 = arith.constant 0 : i32
      %dma_wait3A_35 = arith.constant 0 : i32
      %dma_wait3A_36 = tpu.memref_slice %arg2[%dma_wait3A_34, %dma_wait3A_35] : memref<1000000x300xf32, #tpu.memory_space<hbm>> -> memref<1000000x256xf32, #tpu.memory_space<hbm>>
      tpu.wait_indirect_dma semaphore(%arg9 : memref<!tpu.dma_semaphore, #tpu.memory_space<semaphore_mem>>) src(%dma_wait3A_36 : memref<1000000x256xf32, #tpu.memory_space<hbm>>) dst(%arg7 : memref<128x256xf32, #tpu.memory_space<vmem>>)
      %scan3A_37 = arith.constant 0 : i32
      %scan3A_38 = arith.constant 0 : i32
      %scan3A_39 = arith.constant 128 : i32
      %scan3A_40 = arith.addi %scan3A_38, %scan3A_39 : i32
      %scan3A_41 = arith.constant 1 : i32
      %scan3A_42 = scf.for %scan3A_71 = %scan3A_38 to %scan3A_40 step %scan3A_41 iter_args(%scan3A_72 = %scan3A_37) -> (i32)  : i32 {
        %get3A = arith.index_cast %scan3A_71 : i32 to index
        %get3A_73 = arith.constant 0 : index
        %get3A_74 = tpu.vector_load %arg7[%get3A, %get3A_73] {strides = array<i32>} : memref<128x256xf32, #tpu.memory_space<vmem>>, vector<1x16xf32>,
        %get3A_75 = vector.shape_cast %get3A_74 : vector<1x16xf32> to vector<16xf32>
        %swap3A = arith.index_cast %scan3A_71 : i32 to index
        %swap3A_76 = arith.constant 0 : index
        %swap3A_77 = tpu.vector_load %arg6[%swap3A, %swap3A_76] {strides = array<i32>} : memref<128x256xf32, #tpu.memory_space<vmem>>, vector<1x16xf32>,
        %swap3A_78 = vector.shape_cast %swap3A_77 : vector<1x16xf32> to vector<16xf32>
        %swap3A_79 = vector.shape_cast %get3A_75 : vector<16xf32> to vector<1x16xf32>
        tpu.vector_store %arg6[%swap3A, %swap3A_76], %swap3A_79 {add = true, strides = array<i32>} : memref<128x256xf32, #tpu.memory_space<vmem>>, vector<1x16xf32>,
        %get3A_80 = arith.index_cast %scan3A_71 : i32 to index
        %get3A_81 = arith.constant 16 : index
        %get3A_82 = tpu.vector_load %arg7[%get3A_80, %get3A_81] {strides = array<i32>} : memref<128x256xf32, #tpu.memory_space<vmem>>, vector<1x16xf32>,
        %get3A_83 = vector.shape_cast %get3A_82 : vector<1x16xf32> to vector<16xf32>
        %swap3A_84 = arith.index_cast %scan3A_71 : i32 to index
        %swap3A_85 = arith.constant 16 : index
        %swap3A_86 = tpu.vector_load %arg6[%swap3A_84, %swap3A_85] {strides = array<i32>} : memref<128x256xf32, #tpu.memory_space<vmem>>, vector<1x16xf32>,
        %swap3A_87 = vector.shape_cast %swap3A_86 : vector<1x16xf32> to vector<16xf32>
        %swap3A_88 = vector.shape_cast %get3A_83 : vector<16xf32> to vector<1x16xf32>
        tpu.vector_store %arg6[%swap3A_84, %swap3A_85], %swap3A_88 {add = true, strides = array<i32>} : memref<128x256xf32, #tpu.memory_space<vmem>>, vector<1x16xf32>,
        %get3A_89 = arith.index_cast %scan3A_71 : i32 to index
        %get3A_90 = arith.constant 32 : index
        %get3A_91 = tpu.vector_load %arg7[%get3A_89, %get3A_90] {strides = array<i32>} : memref<128x256xf32, #tpu.memory_space<vmem>>, vector<1x16xf32>,
        %get3A_92 = vector.shape_cast %get3A_91 : vector<1x16xf32> to vector<16xf32>
        %swap3A_93 = arith.index_cast %scan3A_71 : i32 to index
        %swap3A_94 = arith.constant 32 : index
        %swap3A_95 = tpu.vector_load %arg6[%swap3A_93, %swap3A_94] {strides = array<i32>} : memref<128x256xf32, #tpu.memory_space<vmem>>, vector<1x16xf32>,
        %swap3A_96 = vector.shape_cast %swap3A_95 : vector<1x16xf32> to vector<16xf32>
        %swap3A_97 = vector.shape_cast %get3A_92 : vector<16xf32> to vector<1x16xf32>
        tpu.vector_store %arg6[%swap3A_93, %swap3A_94], %swap3A_97 {add = true, strides = array<i32>} : memref<128x256xf32, #tpu.memory_space<vmem>>, vector<1x16xf32>,
        %get3A_98 = arith.index_cast %scan3A_71 : i32 to index
        %get3A_99 = arith.constant 48 : index
        %get3A_100 = tpu.vector_load %arg7[%get3A_98, %get3A_99] {strides = array<i32>} : memref<128x256xf32, #tpu.memory_space<vmem>>, vector<1x16xf32>,
        %get3A_101 = vector.shape_cast %get3A_100 : vector<1x16xf32> to vector<16xf32>
        %swap3A_102 = arith.index_cast %scan3A_71 : i32 to index
        %swap3A_103 = arith.constant 48 : index
        %swap3A_104 = tpu.vector_load %arg6[%swap3A_102, %swap3A_103] {strides = array<i32>} : memref<128x256xf32, #tpu.memory_space<vmem>>, vector<1x16xf32>,
        %swap3A_105 = vector.shape_cast %swap3A_104 : vector<1x16xf32> to vector<16xf32>
        %swap3A_106 = vector.shape_cast %get3A_101 : vector<16xf32> to vector<1x16xf32>
        tpu.vector_store %arg6[%swap3A_102, %swap3A_103], %swap3A_106 {add = true, strides = array<i32>} : memref<128x256xf32, #tpu.memory_space<vmem>>, vector<1x16xf32>,
        %get3A_107 = arith.index_cast %scan3A_71 : i32 to index
        %get3A_108 = arith.constant 64 : index
        %get3A_109 = tpu.vector_load %arg7[%get3A_107, %get3A_108] {strides = array<i32>} : memref<128x256xf32, #tpu.memory_space<vmem>>, vector<1x16xf32>,
        %get3A_110 = vector.shape_cast %get3A_109 : vector<1x16xf32> to vector<16xf32>
        %swap3A_111 = arith.index_cast %scan3A_71 : i32 to index
        %swap3A_112 = arith.constant 64 : index
        %swap3A_113 = tpu.vector_load %arg6[%swap3A_111, %swap3A_112] {strides = array<i32>} : memref<128x256xf32, #tpu.memory_space<vmem>>, vector<1x16xf32>,
        %swap3A_114 = vector.shape_cast %swap3A_113 : vector<1x16xf32> to vector<16xf32>
        %swap3A_115 = vector.shape_cast %get3A_110 : vector<16xf32> to vector<1x16xf32>
        tpu.vector_store %arg6[%swap3A_111, %swap3A_112], %swap3A_115 {add = true, strides = array<i32>} : memref<128x256xf32, #tpu.memory_space<vmem>>, vector<1x16xf32>,
        %get3A_116 = arith.index_cast %scan3A_71 : i32 to index
        %get3A_117 = arith.constant 80 : index
        %get3A_118 = tpu.vector_load %arg7[%get3A_116, %get3A_117] {strides = array<i32>} : memref<128x256xf32, #tpu.memory_space<vmem>>, vector<1x16xf32>,
        %get3A_119 = vector.shape_cast %get3A_118 : vector<1x16xf32> to vector<16xf32>
        %swap3A_120 = arith.index_cast %scan3A_71 : i32 to index
        %swap3A_121 = arith.constant 80 : index
        %swap3A_122 = tpu.vector_load %arg6[%swap3A_120, %swap3A_121] {strides = array<i32>} : memref<128x256xf32, #tpu.memory_space<vmem>>, vector<1x16xf32>,
        %swap3A_123 = vector.shape_cast %swap3A_122 : vector<1x16xf32> to vector<16xf32>
        %swap3A_124 = vector.shape_cast %get3A_119 : vector<16xf32> to vector<1x16xf32>
        tpu.vector_store %arg6[%swap3A_120, %swap3A_121], %swap3A_124 {add = true, strides = array<i32>} : memref<128x256xf32, #tpu.memory_space<vmem>>, vector<1x16xf32>,
        %get3A_125 = arith.index_cast %scan3A_71 : i32 to index
        %get3A_126 = arith.constant 96 : index
        %get3A_127 = tpu.vector_load %arg7[%get3A_125, %get3A_126] {strides = array<i32>} : memref<128x256xf32, #tpu.memory_space<vmem>>, vector<1x16xf32>,
        %get3A_128 = vector.shape_cast %get3A_127 : vector<1x16xf32> to vector<16xf32>
        %swap3A_129 = arith.index_cast %scan3A_71 : i32 to index
        %swap3A_130 = arith.constant 96 : index
        %swap3A_131 = tpu.vector_load %arg6[%swap3A_129, %swap3A_130] {strides = array<i32>} : memref<128x256xf32, #tpu.memory_space<vmem>>, vector<1x16xf32>,
        %swap3A_132 = vector.shape_cast %swap3A_131 : vector<1x16xf32> to vector<16xf32>
        %swap3A_133 = vector.shape_cast %get3A_128 : vector<16xf32> to vector<1x16xf32>
        tpu.vector_store %arg6[%swap3A_129, %swap3A_130], %swap3A_133 {add = true, strides = array<i32>} : memref<128x256xf32, #tpu.memory_space<vmem>>, vector<1x16xf32>,
        %get3A_134 = arith.index_cast %scan3A_71 : i32 to index
        %get3A_135 = arith.constant 112 : index
        %get3A_136 = tpu.vector_load %arg7[%get3A_134, %get3A_135] {strides = array<i32>} : memref<128x256xf32, #tpu.memory_space<vmem>>, vector<1x16xf32>,
        %get3A_137 = vector.shape_cast %get3A_136 : vector<1x16xf32> to vector<16xf32>
        %swap3A_138 = arith.index_cast %scan3A_71 : i32 to index
        %swap3A_139 = arith.constant 112 : index
        %swap3A_140 = tpu.vector_load %arg6[%swap3A_138, %swap3A_139] {strides = array<i32>} : memref<128x256xf32, #tpu.memory_space<vmem>>, vector<1x16xf32>,
        %swap3A_141 = vector.shape_cast %swap3A_140 : vector<1x16xf32> to vector<16xf32>
        %swap3A_142 = vector.shape_cast %get3A_137 : vector<16xf32> to vector<1x16xf32>
        tpu.vector_store %arg6[%swap3A_138, %swap3A_139], %swap3A_142 {add = true, strides = array<i32>} : memref<128x256xf32, #tpu.memory_space<vmem>>, vector<1x16xf32>,
        %get3A_143 = arith.index_cast %scan3A_71 : i32 to index
        %get3A_144 = arith.constant 128 : index
        %get3A_145 = tpu.vector_load %arg7[%get3A_143, %get3A_144] {strides = array<i32>} : memref<128x256xf32, #tpu.memory_space<vmem>>, vector<1x16xf32>,
        %get3A_146 = vector.shape_cast %get3A_145 : vector<1x16xf32> to vector<16xf32>
        %swap3A_147 = arith.index_cast %scan3A_71 : i32 to index
        %swap3A_148 = arith.constant 128 : index
        %swap3A_149 = tpu.vector_load %arg6[%swap3A_147, %swap3A_148] {strides = array<i32>} : memref<128x256xf32, #tpu.memory_space<vmem>>, vector<1x16xf32>,
        %swap3A_150 = vector.shape_cast %swap3A_149 : vector<1x16xf32> to vector<16xf32>
        %swap3A_151 = vector.shape_cast %get3A_146 : vector<16xf32> to vector<1x16xf32>
        tpu.vector_store %arg6[%swap3A_147, %swap3A_148], %swap3A_151 {add = true, strides = array<i32>} : memref<128x256xf32, #tpu.memory_space<vmem>>, vector<1x16xf32>,
        %get3A_152 = arith.index_cast %scan3A_71 : i32 to index
        %get3A_153 = arith.constant 144 : index
        %get3A_154 = tpu.vector_load %arg7[%get3A_152, %get3A_153] {strides = array<i32>} : memref<128x256xf32, #tpu.memory_space<vmem>>, vector<1x16xf32>,
        %get3A_155 = vector.shape_cast %get3A_154 : vector<1x16xf32> to vector<16xf32>
        %swap3A_156 = arith.index_cast %scan3A_71 : i32 to index
        %swap3A_157 = arith.constant 144 : index
        %swap3A_158 = tpu.vector_load %arg6[%swap3A_156, %swap3A_157] {strides = array<i32>} : memref<128x256xf32, #tpu.memory_space<vmem>>, vector<1x16xf32>,
        %swap3A_159 = vector.shape_cast %swap3A_158 : vector<1x16xf32> to vector<16xf32>
        %swap3A_160 = vector.shape_cast %get3A_155 : vector<16xf32> to vector<1x16xf32>
        tpu.vector_store %arg6[%swap3A_156, %swap3A_157], %swap3A_160 {add = true, strides = array<i32>} : memref<128x256xf32, #tpu.memory_space<vmem>>, vector<1x16xf32>,
        %get3A_161 = arith.index_cast %scan3A_71 : i32 to index
        %get3A_162 = arith.constant 160 : index
        %get3A_163 = tpu.vector_load %arg7[%get3A_161, %get3A_162] {strides = array<i32>} : memref<128x256xf32, #tpu.memory_space<vmem>>, vector<1x16xf32>,
        %get3A_164 = vector.shape_cast %get3A_163 : vector<1x16xf32> to vector<16xf32>
        %swap3A_165 = arith.index_cast %scan3A_71 : i32 to index
        %swap3A_166 = arith.constant 160 : index
        %swap3A_167 = tpu.vector_load %arg6[%swap3A_165, %swap3A_166] {strides = array<i32>} : memref<128x256xf32, #tpu.memory_space<vmem>>, vector<1x16xf32>,
        %swap3A_168 = vector.shape_cast %swap3A_167 : vector<1x16xf32> to vector<16xf32>
        %swap3A_169 = vector.shape_cast %get3A_164 : vector<16xf32> to vector<1x16xf32>
        tpu.vector_store %arg6[%swap3A_165, %swap3A_166], %swap3A_169 {add = true, strides = array<i32>} : memref<128x256xf32, #tpu.memory_space<vmem>>, vector<1x16xf32>,
        %get3A_170 = arith.index_cast %scan3A_71 : i32 to index
        %get3A_171 = arith.constant 176 : index
        %get3A_172 = tpu.vector_load %arg7[%get3A_170, %get3A_171] {strides = array<i32>} : memref<128x256xf32, #tpu.memory_space<vmem>>, vector<1x16xf32>,
        %get3A_173 = vector.shape_cast %get3A_172 : vector<1x16xf32> to vector<16xf32>
        %swap3A_174 = arith.index_cast %scan3A_71 : i32 to index
        %swap3A_175 = arith.constant 176 : index
        %swap3A_176 = tpu.vector_load %arg6[%swap3A_174, %swap3A_175] {strides = array<i32>} : memref<128x256xf32, #tpu.memory_space<vmem>>, vector<1x16xf32>,
        %swap3A_177 = vector.shape_cast %swap3A_176 : vector<1x16xf32> to vector<16xf32>
        %swap3A_178 = vector.shape_cast %get3A_173 : vector<16xf32> to vector<1x16xf32>
        tpu.vector_store %arg6[%swap3A_174, %swap3A_175], %swap3A_178 {add = true, strides = array<i32>} : memref<128x256xf32, #tpu.memory_space<vmem>>, vector<1x16xf32>,
        %get3A_179 = arith.index_cast %scan3A_71 : i32 to index
        %get3A_180 = arith.constant 192 : index
        %get3A_181 = tpu.vector_load %arg7[%get3A_179, %get3A_180] {strides = array<i32>} : memref<128x256xf32, #tpu.memory_space<vmem>>, vector<1x16xf32>,
        %get3A_182 = vector.shape_cast %get3A_181 : vector<1x16xf32> to vector<16xf32>
        %swap3A_183 = arith.index_cast %scan3A_71 : i32 to index
        %swap3A_184 = arith.constant 192 : index
        %swap3A_185 = tpu.vector_load %arg6[%swap3A_183, %swap3A_184] {strides = array<i32>} : memref<128x256xf32, #tpu.memory_space<vmem>>, vector<1x16xf32>,
        %swap3A_186 = vector.shape_cast %swap3A_185 : vector<1x16xf32> to vector<16xf32>
        %swap3A_187 = vector.shape_cast %get3A_182 : vector<16xf32> to vector<1x16xf32>
        tpu.vector_store %arg6[%swap3A_183, %swap3A_184], %swap3A_187 {add = true, strides = array<i32>} : memref<128x256xf32, #tpu.memory_space<vmem>>, vector<1x16xf32>,
        %get3A_188 = arith.index_cast %scan3A_71 : i32 to index
        %get3A_189 = arith.constant 208 : index
        %get3A_190 = tpu.vector_load %arg7[%get3A_188, %get3A_189] {strides = array<i32>} : memref<128x256xf32, #tpu.memory_space<vmem>>, vector<1x16xf32>,
        %get3A_191 = vector.shape_cast %get3A_190 : vector<1x16xf32> to vector<16xf32>
        %swap3A_192 = arith.index_cast %scan3A_71 : i32 to index
        %swap3A_193 = arith.constant 208 : index
        %swap3A_194 = tpu.vector_load %arg6[%swap3A_192, %swap3A_193] {strides = array<i32>} : memref<128x256xf32, #tpu.memory_space<vmem>>, vector<1x16xf32>,
        %swap3A_195 = vector.shape_cast %swap3A_194 : vector<1x16xf32> to vector<16xf32>
        %swap3A_196 = vector.shape_cast %get3A_191 : vector<16xf32> to vector<1x16xf32>
        tpu.vector_store %arg6[%swap3A_192, %swap3A_193], %swap3A_196 {add = true, strides = array<i32>} : memref<128x256xf32, #tpu.memory_space<vmem>>, vector<1x16xf32>,
        %get3A_197 = arith.index_cast %scan3A_71 : i32 to index
        %get3A_198 = arith.constant 224 : index
        %get3A_199 = tpu.vector_load %arg7[%get3A_197, %get3A_198] {strides = array<i32>} : memref<128x256xf32, #tpu.memory_space<vmem>>, vector<1x16xf32>,
        %get3A_200 = vector.shape_cast %get3A_199 : vector<1x16xf32> to vector<16xf32>
        %swap3A_201 = arith.index_cast %scan3A_71 : i32 to index
        %swap3A_202 = arith.constant 224 : index
        %swap3A_203 = tpu.vector_load %arg6[%swap3A_201, %swap3A_202] {strides = array<i32>} : memref<128x256xf32, #tpu.memory_space<vmem>>, vector<1x16xf32>,
        %swap3A_204 = vector.shape_cast %swap3A_203 : vector<1x16xf32> to vector<16xf32>
        %swap3A_205 = vector.shape_cast %get3A_200 : vector<16xf32> to vector<1x16xf32>
        tpu.vector_store %arg6[%swap3A_201, %swap3A_202], %swap3A_205 {add = true, strides = array<i32>} : memref<128x256xf32, #tpu.memory_space<vmem>>, vector<1x16xf32>,
        %get3A_206 = arith.index_cast %scan3A_71 : i32 to index
        %get3A_207 = arith.constant 240 : index
        %get3A_208 = tpu.vector_load %arg7[%get3A_206, %get3A_207] {strides = array<i32>} : memref<128x256xf32, #tpu.memory_space<vmem>>, vector<1x16xf32>,
        %get3A_209 = vector.shape_cast %get3A_208 : vector<1x16xf32> to vector<16xf32>
        %swap3A_210 = arith.index_cast %scan3A_71 : i32 to index
        %swap3A_211 = arith.constant 240 : index
        %swap3A_212 = tpu.vector_load %arg6[%swap3A_210, %swap3A_211] {strides = array<i32>} : memref<128x256xf32, #tpu.memory_space<vmem>>, vector<1x16xf32>,
        %swap3A_213 = vector.shape_cast %swap3A_212 : vector<1x16xf32> to vector<16xf32>
        %swap3A_214 = vector.shape_cast %get3A_209 : vector<16xf32> to vector<1x16xf32>
        tpu.vector_store %arg6[%swap3A_210, %swap3A_211], %swap3A_214 {add = true, strides = array<i32>} : memref<128x256xf32, #tpu.memory_space<vmem>>, vector<1x16xf32>,
        %scan3A_215 = arith.constant 0 : i32
        scf.yield %scan3A_215 : i32
      }
      %scan3A_43 = arith.constant 128 : i32
      %add3A_44 = arith.constant 2 : i32
      %add3A_45 = arith.addi %mul3A_31, %add3A_44 : i32
      %lt3A = arith.constant 50 : i32
      %lt3A_46 = arith.cmpi slt, %add3A_45, %lt3A : i32
      %convert_element_type3A = arith.extui %lt3A_46 : i1 to i32
      %cond3A = arith.constant 0 : i32
      %cond3A_47 = arith.cmpi ne, %convert_element_type3A, %cond3A : i32
      scf.if %cond3A_47 {
        %add3A_71 = arith.constant 2 : i32
        %add3A_72 = arith.addi %mul3A_31, %add3A_71 : i32
        %dma_start3A_73 = arith.constant 0 : i32
        %dma_start3A_74 = tpu.memref_slice %arg5[%add3A_72, %dma_start3A_73] : memref<56x128xi32, #tpu.memory_space<vmem>> -> memref<1x128xi32, #tpu.memory_space<vmem>>
        %dma_start3A_75 = tpu.memref_squeeze %dma_start3A_74 : memref<1x128xi32, #tpu.memory_space<vmem>> -> memref<128xi32, #tpu.memory_space<vmem>>
        %dma_start3A_76 = arith.constant 0 : i32
        %dma_start3A_77 = arith.constant 0 : i32
        %dma_start3A_78 = tpu.memref_slice %arg2[%dma_start3A_76, %dma_start3A_77] : memref<1000000x300xf32, #tpu.memory_space<hbm>> -> memref<1000000x256xf32, #tpu.memory_space<hbm>>
        tpu.enqueue_indirect_dma source(%dma_start3A_78 : memref<1000000x256xf32, #tpu.memory_space<hbm>>) target(%arg7 : memref<128x256xf32, #tpu.memory_space<vmem>>) offsets(%dma_start3A_75 : memref<128xi32, #tpu.memory_space<vmem>>) semaphore(%arg9 : memref<!tpu.dma_semaphore, #tpu.memory_space<semaphore_mem>>)
      } else {
      }
      %add3A_48 = arith.constant 1 : i32
      %add3A_49 = arith.addi %mul3A_31, %add3A_48 : i32
      %dma_wait3A_50 = arith.constant 0 : i32
      %dma_wait3A_51 = tpu.memref_slice %arg5[%add3A_49, %dma_wait3A_50] : memref<56x128xi32, #tpu.memory_space<vmem>> -> memref<1x128xi32, #tpu.memory_space<vmem>>
      %dma_wait3A_52 = tpu.memref_squeeze %dma_wait3A_51 : memref<1x128xi32, #tpu.memory_space<vmem>> -> memref<128xi32, #tpu.memory_space<vmem>>
      %dma_wait3A_53 = arith.constant 0 : i32
      %dma_wait3A_54 = arith.constant 0 : i32
      %dma_wait3A_55 = tpu.memref_slice %arg2[%dma_wait3A_53, %dma_wait3A_54] : memref<1000000x300xf32, #tpu.memory_space<hbm>> -> memref<1000000x256xf32, #tpu.memory_space<hbm>>
      tpu.wait_indirect_dma semaphore(%arg10 : memref<!tpu.dma_semaphore, #tpu.memory_space<semaphore_mem>>) src(%dma_wait3A_55 : memref<1000000x256xf32, #tpu.memory_space<hbm>>) dst(%arg8 : memref<128x256xf32, #tpu.memory_space<vmem>>)
      %scan3A_56 = arith.constant 0 : i32
      %scan3A_57 = arith.constant 0 : i32
      %scan3A_58 = arith.constant 128 : i32
      %scan3A_59 = arith.addi %scan3A_57, %scan3A_58 : i32
      %scan3A_60 = arith.constant 1 : i32
      %scan3A_61 = scf.for %scan3A_71 = %scan3A_57 to %scan3A_59 step %scan3A_60 iter_args(%scan3A_72 = %scan3A_56) -> (i32)  : i32 {
        %get3A = arith.index_cast %scan3A_71 : i32 to index
        %get3A_73 = arith.constant 0 : index
        %get3A_74 = tpu.vector_load %arg8[%get3A, %get3A_73] {strides = array<i32>} : memref<128x256xf32, #tpu.memory_space<vmem>>, vector<1x16xf32>,
        %get3A_75 = vector.shape_cast %get3A_74 : vector<1x16xf32> to vector<16xf32>
        %swap3A = arith.index_cast %scan3A_71 : i32 to index
        %swap3A_76 = arith.constant 0 : index
        %swap3A_77 = tpu.vector_load %arg6[%swap3A, %swap3A_76] {strides = array<i32>} : memref<128x256xf32, #tpu.memory_space<vmem>>, vector<1x16xf32>,
        %swap3A_78 = vector.shape_cast %swap3A_77 : vector<1x16xf32> to vector<16xf32>
        %swap3A_79 = vector.shape_cast %get3A_75 : vector<16xf32> to vector<1x16xf32>
        tpu.vector_store %arg6[%swap3A, %swap3A_76], %swap3A_79 {add = true, strides = array<i32>} : memref<128x256xf32, #tpu.memory_space<vmem>>, vector<1x16xf32>,
        %get3A_80 = arith.index_cast %scan3A_71 : i32 to index
        %get3A_81 = arith.constant 16 : index
        %get3A_82 = tpu.vector_load %arg8[%get3A_80, %get3A_81] {strides = array<i32>} : memref<128x256xf32, #tpu.memory_space<vmem>>, vector<1x16xf32>,
        %get3A_83 = vector.shape_cast %get3A_82 : vector<1x16xf32> to vector<16xf32>
        %swap3A_84 = arith.index_cast %scan3A_71 : i32 to index
        %swap3A_85 = arith.constant 16 : index
        %swap3A_86 = tpu.vector_load %arg6[%swap3A_84, %swap3A_85] {strides = array<i32>} : memref<128x256xf32, #tpu.memory_space<vmem>>, vector<1x16xf32>,
        %swap3A_87 = vector.shape_cast %swap3A_86 : vector<1x16xf32> to vector<16xf32>
        %swap3A_88 = vector.shape_cast %get3A_83 : vector<16xf32> to vector<1x16xf32>
        tpu.vector_store %arg6[%swap3A_84, %swap3A_85], %swap3A_88 {add = true, strides = array<i32>} : memref<128x256xf32, #tpu.memory_space<vmem>>, vector<1x16xf32>,
        %get3A_89 = arith.index_cast %scan3A_71 : i32 to index
        %get3A_90 = arith.constant 32 : index
        %get3A_91 = tpu.vector_load %arg8[%get3A_89, %get3A_90] {strides = array<i32>} : memref<128x256xf32, #tpu.memory_space<vmem>>, vector<1x16xf32>,
        %get3A_92 = vector.shape_cast %get3A_91 : vector<1x16xf32> to vector<16xf32>
        %swap3A_93 = arith.index_cast %scan3A_71 : i32 to index
        %swap3A_94 = arith.constant 32 : index
        %swap3A_95 = tpu.vector_load %arg6[%swap3A_93, %swap3A_94] {strides = array<i32>} : memref<128x256xf32, #tpu.memory_space<vmem>>, vector<1x16xf32>,
        %swap3A_96 = vector.shape_cast %swap3A_95 : vector<1x16xf32> to vector<16xf32>
        %swap3A_97 = vector.shape_cast %get3A_92 : vector<16xf32> to vector<1x16xf32>
        tpu.vector_store %arg6[%swap3A_93, %swap3A_94], %swap3A_97 {add = true, strides = array<i32>} : memref<128x256xf32, #tpu.memory_space<vmem>>, vector<1x16xf32>,
        %get3A_98 = arith.index_cast %scan3A_71 : i32 to index
        %get3A_99 = arith.constant 48 : index
        %get3A_100 = tpu.vector_load %arg8[%get3A_98, %get3A_99] {strides = array<i32>} : memref<128x256xf32, #tpu.memory_space<vmem>>, vector<1x16xf32>,
        %get3A_101 = vector.shape_cast %get3A_100 : vector<1x16xf32> to vector<16xf32>
        %swap3A_102 = arith.index_cast %scan3A_71 : i32 to index
        %swap3A_103 = arith.constant 48 : index
        %swap3A_104 = tpu.vector_load %arg6[%swap3A_102, %swap3A_103] {strides = array<i32>} : memref<128x256xf32, #tpu.memory_space<vmem>>, vector<1x16xf32>,
        %swap3A_105 = vector.shape_cast %swap3A_104 : vector<1x16xf32> to vector<16xf32>
        %swap3A_106 = vector.shape_cast %get3A_101 : vector<16xf32> to vector<1x16xf32>
        tpu.vector_store %arg6[%swap3A_102, %swap3A_103], %swap3A_106 {add = true, strides = array<i32>} : memref<128x256xf32, #tpu.memory_space<vmem>>, vector<1x16xf32>,
        %get3A_107 = arith.index_cast %scan3A_71 : i32 to index
        %get3A_108 = arith.constant 64 : index
        %get3A_109 = tpu.vector_load %arg8[%get3A_107, %get3A_108] {strides = array<i32>} : memref<128x256xf32, #tpu.memory_space<vmem>>, vector<1x16xf32>,
        %get3A_110 = vector.shape_cast %get3A_109 : vector<1x16xf32> to vector<16xf32>
        %swap3A_111 = arith.index_cast %scan3A_71 : i32 to index
        %swap3A_112 = arith.constant 64 : index
        %swap3A_113 = tpu.vector_load %arg6[%swap3A_111, %swap3A_112] {strides = array<i32>} : memref<128x256xf32, #tpu.memory_space<vmem>>, vector<1x16xf32>,
        %swap3A_114 = vector.shape_cast %swap3A_113 : vector<1x16xf32> to vector<16xf32>
        %swap3A_115 = vector.shape_cast %get3A_110 : vector<16xf32> to vector<1x16xf32>
        tpu.vector_store %arg6[%swap3A_111, %swap3A_112], %swap3A_115 {add = true, strides = array<i32>} : memref<128x256xf32, #tpu.memory_space<vmem>>, vector<1x16xf32>,
        %get3A_116 = arith.index_cast %scan3A_71 : i32 to index
        %get3A_117 = arith.constant 80 : index
        %get3A_118 = tpu.vector_load %arg8[%get3A_116, %get3A_117] {strides = array<i32>} : memref<128x256xf32, #tpu.memory_space<vmem>>, vector<1x16xf32>,
        %get3A_119 = vector.shape_cast %get3A_118 : vector<1x16xf32> to vector<16xf32>
        %swap3A_120 = arith.index_cast %scan3A_71 : i32 to index
        %swap3A_121 = arith.constant 80 : index
        %swap3A_122 = tpu.vector_load %arg6[%swap3A_120, %swap3A_121] {strides = array<i32>} : memref<128x256xf32, #tpu.memory_space<vmem>>, vector<1x16xf32>,
        %swap3A_123 = vector.shape_cast %swap3A_122 : vector<1x16xf32> to vector<16xf32>
        %swap3A_124 = vector.shape_cast %get3A_119 : vector<16xf32> to vector<1x16xf32>
        tpu.vector_store %arg6[%swap3A_120, %swap3A_121], %swap3A_124 {add = true, strides = array<i32>} : memref<128x256xf32, #tpu.memory_space<vmem>>, vector<1x16xf32>,
        %get3A_125 = arith.index_cast %scan3A_71 : i32 to index
        %get3A_126 = arith.constant 96 : index
        %get3A_127 = tpu.vector_load %arg8[%get3A_125, %get3A_126] {strides = array<i32>} : memref<128x256xf32, #tpu.memory_space<vmem>>, vector<1x16xf32>,
        %get3A_128 = vector.shape_cast %get3A_127 : vector<1x16xf32> to vector<16xf32>
        %swap3A_129 = arith.index_cast %scan3A_71 : i32 to index
        %swap3A_130 = arith.constant 96 : index
        %swap3A_131 = tpu.vector_load %arg6[%swap3A_129, %swap3A_130] {strides = array<i32>} : memref<128x256xf32, #tpu.memory_space<vmem>>, vector<1x16xf32>,
        %swap3A_132 = vector.shape_cast %swap3A_131 : vector<1x16xf32> to vector<16xf32>
        %swap3A_133 = vector.shape_cast %get3A_128 : vector<16xf32> to vector<1x16xf32>
        tpu.vector_store %arg6[%swap3A_129, %swap3A_130], %swap3A_133 {add = true, strides = array<i32>} : memref<128x256xf32, #tpu.memory_space<vmem>>, vector<1x16xf32>,
        %get3A_134 = arith.index_cast %scan3A_71 : i32 to index
        %get3A_135 = arith.constant 112 : index
        %get3A_136 = tpu.vector_load %arg8[%get3A_134, %get3A_135] {strides = array<i32>} : memref<128x256xf32, #tpu.memory_space<vmem>>, vector<1x16xf32>,
        %get3A_137 = vector.shape_cast %get3A_136 : vector<1x16xf32> to vector<16xf32>
        %swap3A_138 = arith.index_cast %scan3A_71 : i32 to index
        %swap3A_139 = arith.constant 112 : index
        %swap3A_140 = tpu.vector_load %arg6[%swap3A_138, %swap3A_139] {strides = array<i32>} : memref<128x256xf32, #tpu.memory_space<vmem>>, vector<1x16xf32>,
        %swap3A_141 = vector.shape_cast %swap3A_140 : vector<1x16xf32> to vector<16xf32>
        %swap3A_142 = vector.shape_cast %get3A_137 : vector<16xf32> to vector<1x16xf32>
        tpu.vector_store %arg6[%swap3A_138, %swap3A_139], %swap3A_142 {add = true, strides = array<i32>} : memref<128x256xf32, #tpu.memory_space<vmem>>, vector<1x16xf32>,
        %get3A_143 = arith.index_cast %scan3A_71 : i32 to index
        %get3A_144 = arith.constant 128 : index
        %get3A_145 = tpu.vector_load %arg8[%get3A_143, %get3A_144] {strides = array<i32>} : memref<128x256xf32, #tpu.memory_space<vmem>>, vector<1x16xf32>,
        %get3A_146 = vector.shape_cast %get3A_145 : vector<1x16xf32> to vector<16xf32>
        %swap3A_147 = arith.index_cast %scan3A_71 : i32 to index
        %swap3A_148 = arith.constant 128 : index
        %swap3A_149 = tpu.vector_load %arg6[%swap3A_147, %swap3A_148] {strides = array<i32>} : memref<128x256xf32, #tpu.memory_space<vmem>>, vector<1x16xf32>,
        %swap3A_150 = vector.shape_cast %swap3A_149 : vector<1x16xf32> to vector<16xf32>
        %swap3A_151 = vector.shape_cast %get3A_146 : vector<16xf32> to vector<1x16xf32>
        tpu.vector_store %arg6[%swap3A_147, %swap3A_148], %swap3A_151 {add = true, strides = array<i32>} : memref<128x256xf32, #tpu.memory_space<vmem>>, vector<1x16xf32>,
        %get3A_152 = arith.index_cast %scan3A_71 : i32 to index
        %get3A_153 = arith.constant 144 : index
        %get3A_154 = tpu.vector_load %arg8[%get3A_152, %get3A_153] {strides = array<i32>} : memref<128x256xf32, #tpu.memory_space<vmem>>, vector<1x16xf32>,
        %get3A_155 = vector.shape_cast %get3A_154 : vector<1x16xf32> to vector<16xf32>
        %swap3A_156 = arith.index_cast %scan3A_71 : i32 to index
        %swap3A_157 = arith.constant 144 : index
        %swap3A_158 = tpu.vector_load %arg6[%swap3A_156, %swap3A_157] {strides = array<i32>} : memref<128x256xf32, #tpu.memory_space<vmem>>, vector<1x16xf32>,
        %swap3A_159 = vector.shape_cast %swap3A_158 : vector<1x16xf32> to vector<16xf32>
        %swap3A_160 = vector.shape_cast %get3A_155 : vector<16xf32> to vector<1x16xf32>
        tpu.vector_store %arg6[%swap3A_156, %swap3A_157], %swap3A_160 {add = true, strides = array<i32>} : memref<128x256xf32, #tpu.memory_space<vmem>>, vector<1x16xf32>,
        %get3A_161 = arith.index_cast %scan3A_71 : i32 to index
        %get3A_162 = arith.constant 160 : index
        %get3A_163 = tpu.vector_load %arg8[%get3A_161, %get3A_162] {strides = array<i32>} : memref<128x256xf32, #tpu.memory_space<vmem>>, vector<1x16xf32>,
        %get3A_164 = vector.shape_cast %get3A_163 : vector<1x16xf32> to vector<16xf32>
        %swap3A_165 = arith.index_cast %scan3A_71 : i32 to index
        %swap3A_166 = arith.constant 160 : index
        %swap3A_167 = tpu.vector_load %arg6[%swap3A_165, %swap3A_166] {strides = array<i32>} : memref<128x256xf32, #tpu.memory_space<vmem>>, vector<1x16xf32>,
        %swap3A_168 = vector.shape_cast %swap3A_167 : vector<1x16xf32> to vector<16xf32>
        %swap3A_169 = vector.shape_cast %get3A_164 : vector<16xf32> to vector<1x16xf32>
        tpu.vector_store %arg6[%swap3A_165, %swap3A_166], %swap3A_169 {add = true, strides = array<i32>} : memref<128x256xf32, #tpu.memory_space<vmem>>, vector<1x16xf32>,
        %get3A_170 = arith.index_cast %scan3A_71 : i32 to index
        %get3A_171 = arith.constant 176 : index
        %get3A_172 = tpu.vector_load %arg8[%get3A_170, %get3A_171] {strides = array<i32>} : memref<128x256xf32, #tpu.memory_space<vmem>>, vector<1x16xf32>,
        %get3A_173 = vector.shape_cast %get3A_172 : vector<1x16xf32> to vector<16xf32>
        %swap3A_174 = arith.index_cast %scan3A_71 : i32 to index
        %swap3A_175 = arith.constant 176 : index
        %swap3A_176 = tpu.vector_load %arg6[%swap3A_174, %swap3A_175] {strides = array<i32>} : memref<128x256xf32, #tpu.memory_space<vmem>>, vector<1x16xf32>,
        %swap3A_177 = vector.shape_cast %swap3A_176 : vector<1x16xf32> to vector<16xf32>
        %swap3A_178 = vector.shape_cast %get3A_173 : vector<16xf32> to vector<1x16xf32>
        tpu.vector_store %arg6[%swap3A_174, %swap3A_175], %swap3A_178 {add = true, strides = array<i32>} : memref<128x256xf32, #tpu.memory_space<vmem>>, vector<1x16xf32>,
        %get3A_179 = arith.index_cast %scan3A_71 : i32 to index
        %get3A_180 = arith.constant 192 : index
        %get3A_181 = tpu.vector_load %arg8[%get3A_179, %get3A_180] {strides = array<i32>} : memref<128x256xf32, #tpu.memory_space<vmem>>, vector<1x16xf32>,
        %get3A_182 = vector.shape_cast %get3A_181 : vector<1x16xf32> to vector<16xf32>
        %swap3A_183 = arith.index_cast %scan3A_71 : i32 to index
        %swap3A_184 = arith.constant 192 : index
        %swap3A_185 = tpu.vector_load %arg6[%swap3A_183, %swap3A_184] {strides = array<i32>} : memref<128x256xf32, #tpu.memory_space<vmem>>, vector<1x16xf32>,
        %swap3A_186 = vector.shape_cast %swap3A_185 : vector<1x16xf32> to vector<16xf32>
        %swap3A_187 = vector.shape_cast %get3A_182 : vector<16xf32> to vector<1x16xf32>
        tpu.vector_store %arg6[%swap3A_183, %swap3A_184], %swap3A_187 {add = true, strides = array<i32>} : memref<128x256xf32, #tpu.memory_space<vmem>>, vector<1x16xf32>,
        %get3A_188 = arith.index_cast %scan3A_71 : i32 to index
        %get3A_189 = arith.constant 208 : index
        %get3A_190 = tpu.vector_load %arg8[%get3A_188, %get3A_189] {strides = array<i32>} : memref<128x256xf32, #tpu.memory_space<vmem>>, vector<1x16xf32>,
        %get3A_191 = vector.shape_cast %get3A_190 : vector<1x16xf32> to vector<16xf32>
        %swap3A_192 = arith.index_cast %scan3A_71 : i32 to index
        %swap3A_193 = arith.constant 208 : index
        %swap3A_194 = tpu.vector_load %arg6[%swap3A_192, %swap3A_193] {strides = array<i32>} : memref<128x256xf32, #tpu.memory_space<vmem>>, vector<1x16xf32>,
        %swap3A_195 = vector.shape_cast %swap3A_194 : vector<1x16xf32> to vector<16xf32>
        %swap3A_196 = vector.shape_cast %get3A_191 : vector<16xf32> to vector<1x16xf32>
        tpu.vector_store %arg6[%swap3A_192, %swap3A_193], %swap3A_196 {add = true, strides = array<i32>} : memref<128x256xf32, #tpu.memory_space<vmem>>, vector<1x16xf32>,
        %get3A_197 = arith.index_cast %scan3A_71 : i32 to index
        %get3A_198 = arith.constant 224 : index
        %get3A_199 = tpu.vector_load %arg8[%get3A_197, %get3A_198] {strides = array<i32>} : memref<128x256xf32, #tpu.memory_space<vmem>>, vector<1x16xf32>,
        %get3A_200 = vector.shape_cast %get3A_199 : vector<1x16xf32> to vector<16xf32>
        %swap3A_201 = arith.index_cast %scan3A_71 : i32 to index
        %swap3A_202 = arith.constant 224 : index
        %swap3A_203 = tpu.vector_load %arg6[%swap3A_201, %swap3A_202] {strides = array<i32>} : memref<128x256xf32, #tpu.memory_space<vmem>>, vector<1x16xf32>,
        %swap3A_204 = vector.shape_cast %swap3A_203 : vector<1x16xf32> to vector<16xf32>
        %swap3A_205 = vector.shape_cast %get3A_200 : vector<16xf32> to vector<1x16xf32>
        tpu.vector_store %arg6[%swap3A_201, %swap3A_202], %swap3A_205 {add = true, strides = array<i32>} : memref<128x256xf32, #tpu.memory_space<vmem>>, vector<1x16xf32>,
        %get3A_206 = arith.index_cast %scan3A_71 : i32 to index
        %get3A_207 = arith.constant 240 : index
        %get3A_208 = tpu.vector_load %arg8[%get3A_206, %get3A_207] {strides = array<i32>} : memref<128x256xf32, #tpu.memory_space<vmem>>, vector<1x16xf32>,
        %get3A_209 = vector.shape_cast %get3A_208 : vector<1x16xf32> to vector<16xf32>
        %swap3A_210 = arith.index_cast %scan3A_71 : i32 to index
        %swap3A_211 = arith.constant 240 : index
        %swap3A_212 = tpu.vector_load %arg6[%swap3A_210, %swap3A_211] {strides = array<i32>} : memref<128x256xf32, #tpu.memory_space<vmem>>, vector<1x16xf32>,
        %swap3A_213 = vector.shape_cast %swap3A_212 : vector<1x16xf32> to vector<16xf32>
        %swap3A_214 = vector.shape_cast %get3A_209 : vector<16xf32> to vector<1x16xf32>
        tpu.vector_store %arg6[%swap3A_210, %swap3A_211], %swap3A_214 {add = true, strides = array<i32>} : memref<128x256xf32, #tpu.memory_space<vmem>>, vector<1x16xf32>,
        %scan3A_215 = arith.constant 0 : i32
        scf.yield %scan3A_215 : i32
      }
      %scan3A_62 = arith.constant 128 : i32
      %add3A_63 = arith.constant 3 : i32
      %add3A_64 = arith.addi %mul3A_31, %add3A_63 : i32
      %lt3A_65 = arith.constant 50 : i32
      %lt3A_66 = arith.cmpi slt, %add3A_64, %lt3A_65 : i32
      %convert_element_type3A_67 = arith.extui %lt3A_66 : i1 to i32
      %cond3A_68 = arith.constant 0 : i32
      %cond3A_69 = arith.cmpi ne, %convert_element_type3A_67, %cond3A_68 : i32
      scf.if %cond3A_69 {
        %add3A_71 = arith.constant 3 : i32
        %add3A_72 = arith.addi %mul3A_31, %add3A_71 : i32
        %dma_start3A_73 = arith.constant 0 : i32
        %dma_start3A_74 = tpu.memref_slice %arg5[%add3A_72, %dma_start3A_73] : memref<56x128xi32, #tpu.memory_space<vmem>> -> memref<1x128xi32, #tpu.memory_space<vmem>>
        %dma_start3A_75 = tpu.memref_squeeze %dma_start3A_74 : memref<1x128xi32, #tpu.memory_space<vmem>> -> memref<128xi32, #tpu.memory_space<vmem>>
        %dma_start3A_76 = arith.constant 0 : i32
        %dma_start3A_77 = arith.constant 0 : i32
        %dma_start3A_78 = tpu.memref_slice %arg2[%dma_start3A_76, %dma_start3A_77] : memref<1000000x300xf32, #tpu.memory_space<hbm>> -> memref<1000000x256xf32, #tpu.memory_space<hbm>>
        tpu.enqueue_indirect_dma source(%dma_start3A_78 : memref<1000000x256xf32, #tpu.memory_space<hbm>>) target(%arg8 : memref<128x256xf32, #tpu.memory_space<vmem>>) offsets(%dma_start3A_75 : memref<128xi32, #tpu.memory_space<vmem>>) semaphore(%arg10 : memref<!tpu.dma_semaphore, #tpu.memory_space<semaphore_mem>>)
      } else {
      }
      %scan3A_70 = arith.constant 0 : i32
      scf.yield %scan3A_70 : i32
    }
    %scan3A_27 = arith.constant 25 : i32
    "tpu.region"() ({
      %run_scoped3A = tpu.sem_alloc : memref<!tpu.dma_semaphore, #tpu.memory_space<semaphore_mem>>
      %dma_start3A_28 = arith.constant 0 : i32
      %dma_start3A_29 = arith.constant 0 : i32
      %dma_start3A_30 = tpu.memref_slice %arg4[%add3A, %dma_start3A_28, %dma_start3A_29] : memref<32x128x256xf32, #tpu.memory_space<hbm>> -> memref<1x128x256xf32, #tpu.memory_space<hbm>>
      %dma_start3A_31 = tpu.memref_squeeze %dma_start3A_30 : memref<1x128x256xf32, #tpu.memory_space<hbm>> -> memref<128x256xf32, #tpu.memory_space<hbm>>
      %dma_start3A_32 = arith.constant 0 : i32
      %dma_start3A_33 = arith.constant 0 : i32
      %dma_start3A_34 = tpu.memref_slice %arg4[%add3A, %dma_start3A_32, %dma_start3A_33] : memref<32x128x256xf32, #tpu.memory_space<hbm>> -> memref<1x128x256xf32, #tpu.memory_space<hbm>>
      %dma_start3A_35 = tpu.memref_squeeze %dma_start3A_34 : memref<1x128x256xf32, #tpu.memory_space<hbm>> -> memref<128x256xf32, #tpu.memory_space<hbm>>
      tpu.enqueue_dma source(%arg6 : memref<128x256xf32, #tpu.memory_space<vmem>>) target(%dma_start3A_35 : memref<128x256xf32, #tpu.memory_space<hbm>>) target_semaphore(%run_scoped3A : memref<!tpu.dma_semaphore, #tpu.memory_space<semaphore_mem>>)
      %dma_wait3A = arith.constant 0 : i32
      %dma_wait3A_36 = arith.constant 0 : i32
      %dma_wait3A_37 = tpu.memref_slice %arg4[%add3A, %dma_wait3A, %dma_wait3A_36] : memref<32x128x256xf32, #tpu.memory_space<hbm>> -> memref<1x128x256xf32, #tpu.memory_space<hbm>>
      %dma_wait3A_38 = tpu.memref_squeeze %dma_wait3A_37 : memref<1x128x256xf32, #tpu.memory_space<hbm>> -> memref<128x256xf32, #tpu.memory_space<hbm>>
      %dma_wait3A_39 = arith.constant 0 : i32
      %dma_wait3A_40 = arith.constant 0 : i32
      %dma_wait3A_41 = tpu.memref_slice %arg4[%add3A, %dma_wait3A_39, %dma_wait3A_40] : memref<32x128x256xf32, #tpu.memory_space<hbm>> -> memref<1x128x256xf32, #tpu.memory_space<hbm>>
      %dma_wait3A_42 = tpu.memref_squeeze %dma_wait3A_41 : memref<1x128x256xf32, #tpu.memory_space<hbm>> -> memref<128x256xf32, #tpu.memory_space<hbm>>
      tpu.wait_dma2 semaphore(%run_scoped3A : memref<!tpu.dma_semaphore, #tpu.memory_space<semaphore_mem>>) src(%arg6 : memref<128x256xf32, #tpu.memory_space<vmem>>) dst(%dma_wait3A_42 : memref<128x256xf32, #tpu.memory_space<hbm>>)
      tpu.yield
    }) : () -> ()
    return
  }
}

</mosaic_0001>

<sc_bundles>
// kernel: embed_pool_sc_256.3.cloned.1.call-start
scs
__scs_entry_jumppad:
0x0: {  	(pc) =	sbr.rel $0x88, $3  }
0x1: {  	(tag) =	ssettag $0x0;
	lr =	simm.s32 $0x1  }
0x2: {  	[smem:$0x3F9F] =	sst lr;
	_ =	strace $0xD0000000  }
0x3: {  	_ = 	snop  }
0x4: {  	_ = 	snop  }
0x5: {  	_ = 	snop  }
0x6: {  	_ = 	snop  }
0x7: {  	_ = 	snop  }
__scs_overlays_trampoline_lowered:
0x8: {  	[smem:$0x3FAE] =	sst s0  }
0x9: {  	[smem:$0x3FAF] =	sst s1  }
0xa: {  	[smem:$0x3FB0] =	sst s2  }
0xb: {  	[smem:$0x3FB1] =	sst s3  }
0xc: {  	[smem:$0x3FB2] =	sst s4  }
0xd: {  	[smem:$0x3FB3] =	sst s5  }
0xe: {  	[smem:$0x3FB4] =	sst s6  }
0xf: {  	[smem:$0x3FB5] =	sst s7  }
0x10: {  	[smem:$0x3FB6] =	sst s8  }
0x11: {  	[smem:$0x3FB7] =	sst s9;
	s0 =	simm.s32 @!p0 $0x0  }
0x12: {  	s1 =	sld [smem:$0x3F9D];
	s0 =	simm.s32 @p0 $0x1  }
0x13: {  	[smem:$0x3FB8] =	sst s0;
	s0 =	simm.s32 @!p1 $0x0  }
0x14: {  	s2 =	sld [smem:$0x3F9C];
	s0 =	simm.s32 @p1 $0x1  }
0x15: {  	[smem:$0x3FB9] =	sst s0;
	s0 =	simm.s32 @!p2 $0x0  }
0x16: {  	s3 =	sld [smem:$0x3FDB];
	s0 =	simm.s32 @p2 $0x1  }
0x17: {  	s4 =	simm.s32 $0x1BF5;
	[smem:$0x3FBB] =	sst s0  }
0x18: {  	s0 =	sld [smem:$0x3F9E];
	_ =	swait.ge [sflag:s4], $0x0  }
0x19: {  	s7 =	sld [smem:$0x3F9F]  }
0x1a: {  	s8 =	sadd.s32 $0xFFFFE003, lr  }
0x1b: {  	s9 =	sadd.s32 $0xFFFFFEF7, lr;
	s5 =	simm.s32 $0xFFFFFFFF;
	p2 =	slt.u32 s8, $0xFFFFF086  }
0x1c: {  	p1 =	slt.u32 s9, $0xF7A;
	s5 =	simm.s32 @!p2 $0x0  }
0x1d: {  	s5 =	simm.s32 @p1 $0x1;
	p0 =	seq.s32 s7, s2  }
0x1e: {  	s7 =	smul.u32 @!p0 $0xF7A, s2;
	p2 =	seq.s32 @!p0 s5, $0x0  }
0x1f: {  	s9 =	smul.u32 $0xF7A, s1;
	s8 =	simm.s32 @!p0 $0x1BF5;
	p2 =	por !p2, p0  }
0x20: {  	[sflag:s8] =	ssyncset.s32 @!p0 $0xFFFFF086;
	s6 =	sadd.s32 @!p0 s3, s7;
	s7 =	simm.s32 @!p0 $0x108  }
0x21: {  	s3 =	sadd.s32 s3, s9;
	s6 =	sadd.s32 @!p0 $0x88, s6;
	s7 =	simm.s32 @p2 $0x1082  }
0x22: {  	[simem:s7], [sflag:s8] =	dma.local @!p0 [hbm:s6], $0xF7A  }
0x23: {  	s9 =	sor.u32 $0xD0000000, s2;
	s6 =	simm.s32 $0x108;
	_ =	swait.ge @!p0 [sflag:s8], $0x0  }
0x24: {  	s3 =	sadd.s32 $0x88, s3;
	s6 =	simm.s32 @!p1 $0x1082;
	[sflag:s4] =	ssyncset.s32 $0xFFFFF086  }
0x25: {  	[simem:s6], [sflag:s4] =	dma.local [hbm:s3], $0xF7A  }
0x26: {  	[smem:$0x3F9F] =	sst s1;
	(tag) =	ssettag s2;
	_ =	strace s9  }
0x27: {  	s1 =	sld [smem:$0x3FAF]  }
0x28: {  	s2 =	sld [smem:$0x3FB0]  }
0x29: {  	s4 =	sld [smem:$0x3FB2]  }
0x2a: {  	p0 =	seq.s32 s5, $0x0;
	s5 =	sld [smem:$0x3FB3]  }
0x2b: {  	s6 =	sld [smem:$0x3FB4]  }
0x2c: {  	s7 =	sld [smem:$0x3FB5]  }
0x2d: {  	s3 =	simm.s32 $0x108;
	s8 =	sld [smem:$0x3FB6]  }
0x2e: {  	s3 =	simm.s32 @!p0 $0x1082;
	s9 =	sld [smem:$0x3FB7]  }
0x2f: {  	lr =	sadd.s32 s0, s3;
	s0 =	sld [smem:$0x3FAE]  }
0x30: {  	s3 =	sld [smem:$0x3FB1]  }
0x31: {  	[smem:$0x3FBA] =	sst s10  }
0x32: {  	s10 =	sld [smem:$0x3FB8];
	_ =	sdelay $0x3  }
0x33: {  	p0 =	seq.s32 s10, $0x1;
	s10 =	sld [smem:$0x3FBA];
	_ =	sdelay $0x3  }
0x34: {  	[smem:$0x3FBA] =	sst s10  }
0x35: {  	s10 =	sld [smem:$0x3FB9];
	_ =	sdelay $0x3  }
0x36: {  	p1 =	seq.s32 s10, $0x1;
	s10 =	sld [smem:$0x3FBA];
	_ =	sdelay $0x3  }
0x37: {  	[smem:$0x3FBA] =	sst s10  }
0x38: {  	s10 =	sld [smem:$0x3FBB]  }
0x39: {  	_ = 	snop;
	(pc) =	sbr.ind lr, $3  }
0x3a: {  	_ = 	snop  }
0x3b: {  	_ = 	snop  }
0x3c: {  	p2 =	seq.s32 s10, $0x1;
	s10 =	sld [smem:$0x3FBA]  }
0x3d: {  	_ =	shalt  }
0x3e: {  	_ =	shalt  }
0x3f: {  	_ =	shalt  }
0x40: {  	_ =	shalt  }
0x41: {  	_ =	shalt  }
0x42: {  	_ =	shalt  }
0x43: {  	_ =	shalt  }
0x44: {  	_ =	shalt  }
0x45: {  	_ =	shalt  }
0x46: {  	_ =	shalt  }
0x47: {  	_ =	shalt  }
0x48: {  	_ =	shalt  }
0x49: {  	_ =	shalt  }
0x4a: {  	_ =	shalt  }
0x4b: {  	_ =	shalt  }
0x4c: {  	_ =	shalt  }
0x4d: {  	_ =	shalt  }
0x4e: {  	_ =	shalt  }
0x4f: {  	_ =	shalt  }
0x50: {  	_ =	shalt  }
0x51: {  	_ =	shalt  }
0x52: {  	_ =	shalt  }
0x53: {  	_ =	shalt  }
0x54: {  	_ =	shalt  }
0x55: {  	_ =	shalt  }
0x56: {  	_ =	shalt  }
0x57: {  	_ =	shalt  }
0x58: {  	_ =	shalt  }
0x59: {  	_ =	shalt  }
0x5a: {  	_ =	shalt  }
0x5b: {  	_ =	shalt  }
0x5c: {  	_ =	shalt  }
0x5d: {  	_ =	shalt  }
0x5e: {  	_ =	shalt  }
0x5f: {  	_ =	shalt  }
0x60: {  	_ =	shalt  }
0x61: {  	_ =	shalt  }
0x62: {  	_ =	shalt  }
0x63: {  	_ =	shalt  }
0x64: {  	_ =	shalt  }
0x65: {  	_ =	shalt  }
0x66: {  	_ =	shalt  }
0x67: {  	_ =	shalt  }
0x68: {  	_ =	shalt  }
0x69: {  	_ =	shalt  }
0x6a: {  	_ =	shalt  }
0x6b: {  	_ =	shalt  }
0x6c: {  	_ =	shalt  }
0x6d: {  	_ =	shalt  }
0x6e: {  	_ =	shalt  }
0x6f: {  	_ =	shalt  }
0x70: {  	_ =	shalt  }
0x71: {  	_ =	shalt  }
0x72: {  	_ =	shalt  }
0x73: {  	_ =	shalt  }
0x74: {  	_ =	shalt  }
0x75: {  	_ =	shalt  }
0x76: {  	_ =	shalt  }
0x77: {  	_ =	shalt  }
0x78: {  	_ =	shalt  }
0x79: {  	_ =	shalt  }
0x7a: {  	_ =	shalt  }
0x7b: {  	_ =	shalt  }
0x7c: {  	_ =	shalt  }
0x7d: {  	_ =	shalt  }
0x7e: {  	_ =	shalt  }
0x7f: {  	_ =	shalt  }
0x80: {  	_ =	shalt  }
0x81: {  	_ =	shalt  }
0x82: {  	_ =	shalt  }
0x83: {  	_ =	shalt  }
0x84: {  	_ =	shalt  }
0x85: {  	_ =	shalt  }
0x86: {  	_ =	shalt  }
0x87: {  	_ =	shalt  }
.Lfunc_end0:
.L_simem_size_0:
called_computation_lowered:
.L_overlay_start_0:
0x88: {  	s2 =	sld [smem:$0x3FD9]  }
0x89: {  	s3 =	sld [smem:$0x3FFE];
	_ =	sdelay $0x1  }
0x8a: {  	s1 =	srdreg.scid  }
0x8b: {  	s0 =	sand.u32 $0x1, s1  }
0x8c: {  	s17 =	sshll.u32 s0, $0xA;
	s2 =	sadd.s32 s3, s2  }
0x8d: {  	s2 =	sadd.s32 s2, s17  }
0x8e: {  	[smem:$0x3FC6] =	sst s2  }
0x8f: {  	_ = 	snop  }
0x90: {  	s2 =	sld [smem:$0x3FC8]  }
0x91: {  	s18 =	sld [smem:$0x3FD0];
	(tm) =	ssettm $0x1  }
0x92: {  	s4 =	sld [smem:$0x3FFB];
	_ =	sdelay $0x3  }
0x93: {  	_ =	strace s4  }
0x94: {  	s4 =	sld [smem:$0x3FFC];
	_ =	sdelay $0x3  }
0x95: {  	_ =	strace s4  }
0x96: {  	s4 =	sld [smem:$0x3FFD];
	_ =	sdelay $0x3  }
0x97: {  	_ =	strace s4  }
0x98: {  	_ =	strace $0x8FFFFFFF  }
0x99: {  	s19 =	sld [smem:$0x3FDB];
	_ =	sdelay $0x1  }
0x9a: {  	s5 =	simm.s32 $_scs_section_size  }
0x9b: {  	s6 =	simm.s32 $_size__tile_overlayer_lowered;
	s7 =	simm.s32 $_tile_overlayer_lowered  }
0x9c: {  	s22 =	simm.s32 $0x1BFF;
	s21 =	sshll.u32 s7, $0x1;
	s4 =	sadd.s32 s5, s19  }
0x9d: {  	s8 =	simm.s32 $0x0;
	s20 =	sshll.u32 s6, $0x1;
	s6 =	sadd.s32 s21, s4  }
0x9e: {  	[timem:s8], [sflag:s22] =	dma.local [hbm:s6], s20  }
0x9f: {  	_ =	swait.ge [sflag:s22], s20  }
0xa0: {  	s5 =	ssub.s32 $0x0, s20;
	[sflag:s22] =	ssyncset.done $0x0  }
0xa1: {  	[sflag:s22] =	ssyncadd.s32 s5;
	_ =	sdelay $0x1  }
0xa2: {  	s23 =	simm.s32 $0x1B8B  }
0xa3: {  	_ =	swait.ge [sflag:s23], $0x1  }
0xa4: {  	[sflag:s23] =	ssyncset.done $0x0  }
0xa5: {  	s25 =	simm.s32 $0x1B8E;
	s24 =	sld [smem:$0x3FFE];
	[sflag:s23] =	ssyncadd.s32 $0xFFFFFFFF  }
0xa6: {  	s26 =	simm.s32 $execute0_lowered;
	[smem:$0x3FD2] =	sst s25  }
0xa7: {  	s6 =	sshll.u32 s26, $0x1;
	_ =	strace $0x80000046;
	[dreg:$0x1] =	wrdreg $0xFFFFFFFF  }
0xa8: {  	s28 =	simm.s32 $_size_execute0_lowered;
	s4 =	sadd.s32 s4, s6;
	[dreg:$0x0] =	wrdreg $0x0  }
0xa9: {  	s6 =	sshll.u32 s28, $0x1;
	[dreg:$0x2] =	wrdreg s4  }
0xaa: {  	[dreg:$0x3] =	wrdreg s6  }
0xab: {  	[dreg:$0x4] =	wrdreg $0xC0  }
0xac: {  	_ =	task [dreg:s8], $0x5FFFF  }
0xad: {  	[dreg:$0x1] =	wrdreg $0xFFFFFFFF  }
0xae: {  	[dreg:$0x0] =	wrdreg $0x60  }
0xaf: {  	[dreg:$0x2] =	wrdreg s24  }
0xb0: {  	[dreg:$0x3] =	wrdreg s2  }
0xb1: {  	[dreg:$0x4] =	wrdreg s18  }
0xb2: {  	[dreg:$0x5] =	wrdreg $0x9  }
0xb3: {  	_ =	task.clear_ibuf [dreg:s8], $0x6FFFF;
	_ =	strace $0x90000046  }
0xb4: {  	s29 =	simm.s32 $0x9;
	_ =	strace $0x80000048  }
0xb5: {  	_ =	swait.ge [sflag:s29], $0x1  }
0xb6: {  	[sflag:s29] =	ssyncadd.s32 $0xFFFFFFFF  }
0xb7: {  	_ =	strace $0x90000048  }
0xb8: {  	_ =	sfence  }
0xb9: {  	s30 =	sld [smem:$0x0];
	_ =	sdelay $0x2  }
0xba: {  	s31 =	sshll.u32 s1, $0xD;
	s1 =	sshrl.u32 s1, $0x2  }
0xbb: {  	s3 =	sand.u32 $0x4000, s31;
	s1 =	sadd.s32 s1, s30  }
0xbc: {  	s0 =	sor.u32 s3, s0;
	s1 =	sshll.u32 s1, $0x11  }
0xbd: {  	s0 =	sor.u32 s1, s0  }
0xbe: {  	s0 =	sadd.s32 $0x8F2B, s0  }
0xbf: {  	[sflag:s0] =	ssyncadd.remote.s32 $0x1  }
0xc0: {  	_ =	sfence.sel $0xFFFF  }
0xc1: {  	[dreg:$0x0] =	wrdreg $0xFFFFFFFF;
	(pc) =	sbr.abs _section_cstart, $3  }
0xc2: {  	[dreg:$0x1] =	wrdreg $0xFFFFFFFF  }
0xc3: {  	_ =	task.clear_ibuf [dreg:s8], $0x2FFFF;
	_ =	strace $0x9FFFFFFF  }
0xc4: {  	(tm) =	ssettm $0x7FFFFFFF  }
0xc5: {  	_ =	shalt  }
tec
execute0_lowered:
.L_overlay_start_1:
0x0: {  	(tag) =	ssettag $0x1  }
0x1: {  	s0 =	rddreg [dreg:$0x0]  }
0x2: {  	s1 =	rddreg [dreg:$0x1];
	s2 =	srdreg.scid  }
0x3: {  	s5 =	stileid.u32;
	s4 =	rddreg [dreg:$0x2]  }
0x4: {  	s15 =	simm.s32 $0x3;
	s21 =	simm.s32 $0x10400;
	s22 =	simm.s32 $0x10C00  }
0x5: {  	s23 =	simm.s32 $0x11400;
	s24 =	simm.s32 $0x11C00;
	s28 =	simm.s32 $0x13400  }
0x6: {  	s29 =	simm.s32 $0x13C00;
	s30 =	simm.s32 $0x14400;
	s31 =	simm.s32 $0x14C00  }
0x7: {  	s8 =	simm.s32 $0x18400;
	s9 =	simm.s32 $0x18C00;
	s10 =	simm.s32 $0x19400  }
0x8: {  	s11 =	simm.s32 $0x1;
	s12 =	simm.s32 $0x2;
	s14 =	simm.s32 $0x0  }
0x9: {  	s3 =	sand.u32 $0x1, s2;
	s5 =	sshll.u32 s5, $0x1;
	s2 =	simm.s32 $0x0  }
0xa: {  	s5 =	sor.u32 s3, s5;
	[smem:$0x7FF] =	sst s2;
	s6 =	ssub.s32 $0x2, s3  }
0xb: {  	s3 =	sadd.s32 $0x400, s0;
	s7 =	smul.u32 $0x380, s5;
	_ =	strace $0x80000047  }
0xc: {  	s25 =	sshrl.u32 s6, $0x1;
	s26 =	sshll.u32 s5, $0xC;
	s5 =	simm.s32 $0x16C00  }
.Ltmp0:
0xd: {  	s0 =	ssub.s32 s6, s25;
	s25 =	simm.s32 $0x12400;
	(pc) =	sbr.rel .LBB2_1-.Ltmp0, $4  }
0xe: {  	s6 =	simm.s32 $0x17400;
	s1 =	sadd.s32 s1, s7;
	s0 =	smax.u32 s0, $0x1  }
0xf: {  	v3 =	vlaneseq.u32;
	s7 =	simm.s32 $0x17C00;
	[dreg:$0x4] =	wrdreg s1;
	s1 =	sadd.s32 s4, s26  }
0x10: {  	v0 =	vimm.f32 $0.0e+00;
	vm0 =	vmmov $0xffff;
	v2 =	vshrl.u32 v3, $0x3;
	[dreg:$0x6] =	wrdreg s0;
	s26 =	simm.s32 $0x12C00;
	s0 =	simm.s32 $0x15C00  }
0x11: {  	v1 =	vand.u32 $0x7, v3;
	v3 =	vor.u32 $0x8, v3;
	v2 =	vmul.u32 $0x8, v2;
	s4 =	simm.s32 $0x16400;
	[dreg:$0x5] =	wrdreg s1;
	s1 =	simm.s32 $0x15400  }
.LBB2_12:
0x12: {  	s13 =	rddreg [dreg:$0x5];
	s14 =	simm.s32 $0x1C00;
	s15 =	simm.s32 $0x3  }
0x13: {  	[hbm4b:s13+s2] =	stream.linear.scatter [tilespmem:s14], [sflag:$0x3], $0x8000, $0x38;
	[tilespmem:$0x19C00] =	vst v63  }
0x14: {  	_ =	swait.ge [sflag:s15], $0x8000  }
0x15: {  	s19 =	rddreg [dreg:$0x7]  }
0x16: {  	s20 =	rddreg [dreg:$0x6];
	s14 =	sadd.s32 $0x1, s19  }
0x17: {  	p0 =	sne.s32 s14, s20  }
.Ltmp1:
0x18: {  	_ = 	snop;
	(pc) =	sbr.rel @!p0 .LBB2_13-.Ltmp1, $3  }
0x19: {  	_ =	sdelay $0x1  }
0x1a: {  	[sflag:s15] =	ssyncset.done $0x0  }
0x1b: {  	[sflag:s15] =	ssyncadd.s32 $0xFFFF8000  }
.LBB2_1:
0x1c: {  	[dreg:$0x7] =	wrdreg s14  }
0x1d: {  	s13 =	rddreg [dreg:$0x4]  }
0x1e: {  	[tilespmem:s2], [sflag:$0x3] =	stream.linear.gather [hbm4b:s13+s2], $0x1C00, $0x38;
	[tilespmem:$0x19C00] =	vst v63  }
0x1f: {  	_ =	swait.ge [sflag:s15], $0x1C00  }
0x20: {  	s18 =	sand.u32 $0x7800, s2;
	s19 =	sand.u32 $0x380, s2;
	[sflag:s15] =	ssyncset.done $0x0  }
0x21: {  	s13 =	sor.u32 s19, s18;
	[sflag:s15] =	ssyncadd.s32 $0xFFFFE400  }
0x22: {  	[tilespmem:s13+$0x2070] =	vst v0  }
0x23: {  	[tilespmem:s13+$0x1C00] =	vst v0  }
0x24: {  	[tilespmem:s13+$0x1C10] =	vst v0  }
0x25: {  	[tilespmem:s13+$0x1C20] =	vst v0  }
0x26: {  	[tilespmem:s13+$0x1C30] =	vst v0  }
0x27: {  	[tilespmem:s13+$0x1C40] =	vst v0  }
0x28: {  	[tilespmem:s13+$0x1C50] =	vst v0  }
0x29: {  	[tilespmem:s13+$0x1C60] =	vst v0  }
0x2a: {  	[tilespmem:s13+$0x1C70] =	vst v0  }
0x2b: {  	[tilespmem:s13+$0x2000] =	vst v0  }
0x2c: {  	[tilespmem:s13+$0x2010] =	vst v0  }
0x2d: {  	[tilespmem:s13+$0x2020] =	vst v0  }
0x2e: {  	[tilespmem:s13+$0x2030] =	vst v0  }
0x2f: {  	s20 =	simm.s32 $0x100;
	s14 =	simm.s32 $0x80;
	[tilespmem:s13+$0x2040] =	vst v0  }
0x30: {  	s16 =	sand.u32 $0x7800, s20;
	s17 =	sand.u32 $0x380, s14;
	s15 =	simm.s32 $0x200;
	[tilespmem:s13+$0x2050] =	vst v0  }
.LBB2_2:
0x31: {  	p0 =	sne.s32 s15, $0x7F00;
	[tilespmem:s13+$0x2060] =	vst v0;
	s13 =	sor.u32 s17, s16  }
0x32: {  	[tilespmem:s13+$0x2070] =	vst v0  }
0x33: {  	[tilespmem:s13+$0x1C00] =	vst v0  }
0x34: {  	[tilespmem:s13+$0x1C10] =	vst v0  }
0x35: {  	[tilespmem:s13+$0x1C20] =	vst v0  }
0x36: {  	[tilespmem:s13+$0x1C30] =	vst v0  }
0x37: {  	[tilespmem:s13+$0x1C40] =	vst v0  }
0x38: {  	[tilespmem:s13+$0x1C50] =	vst v0  }
0x39: {  	[tilespmem:s13+$0x1C60] =	vst v0  }
0x3a: {  	[tilespmem:s13+$0x1C70] =	vst v0  }
0x3b: {  	[tilespmem:s13+$0x2000] =	vst v0  }
.Ltmp2:
0x3c: {  	[tilespmem:s13+$0x2010] =	vst v0;
	(pc) =	sbr.rel @p0 .LBB2_2-.Ltmp2, $4  }
0x3d: {  	[tilespmem:s13+$0x2020] =	vst v0  }
0x3e: {  	[tilespmem:s13+$0x2030] =	vst v0  }
0x3f: {  	s14 =	sadd.s32 $0x80, s14;
	[tilespmem:s13+$0x2040] =	vst v0  }
0x40: {  	s16 =	sand.u32 $0x7800, s15;
	s15 =	sadd.s32 $0x100, s15;
	s17 =	sand.u32 $0x380, s14;
	[tilespmem:s13+$0x2050] =	vst v0  }
0x41: {  	s14 =	sor.u32 s17, s16;
	[tilespmem:s13+$0x2060] =	vst v0  }
0x42: {  	[tilespmem:s14+$0x2070] =	vst v0  }
0x43: {  	[tilespmem:s14+$0x1C00] =	vst v0  }
0x44: {  	[tilespmem:s14+$0x1C10] =	vst v0  }
0x45: {  	[tilespmem:s14+$0x1C20] =	vst v0  }
0x46: {  	[tilespmem:s14+$0x1C30] =	vst v0  }
0x47: {  	[tilespmem:s14+$0x1C40] =	vst v0  }
0x48: {  	[tilespmem:s14+$0x1C50] =	vst v0  }
0x49: {  	[tilespmem:s14+$0x1C60] =	vst v0  }
0x4a: {  	[tilespmem:s14+$0x1C70] =	vst v0  }
0x4b: {  	[tilespmem:s14+$0x2000] =	vst v0  }
0x4c: {  	[tilespmem:s14+$0x2010] =	vst v0  }
0x4d: {  	[tilespmem:s14+$0x2020] =	vst v0  }
0x4e: {  	[tilespmem:s14+$0x2030] =	vst v0  }
0x4f: {  	[tilespmem:s14+$0x2040] =	vst v0  }
0x50: {  	[tilespmem:s14+$0x2050] =	vst v0  }
0x51: {  	[tilespmem:s14+$0x2060] =	vst v0  }
0x52: {  	v4 =	vld [tilespmem:$0x0];
	_ =	sdelay $0x4  }
0x53: {  	v5 =	vshrl.u32 v4, $0x3  }
0x54: {  	v5 =	vmul.u32 $0x18, v5  }
0x55: {  	v4 =	vand.u32 $0x7, v4  }
0x56: {  	v4 =	vor.u32 v4, v5  }
0x57: {  	v5 =	vperm.xlane v4, v1;
	_ =	sdelay $0x1  }
0x58: {  	v4 =	vperm.xlane v4, v3;
	v5 =	vadd.s32 v2, v5;
	_ =	sdelay $0x1  }
0x59: {  	v4 =	vadd.s32 v2, v4;
	_ =	sdelay $0x1  }
0x5a: {  	s13 =	simm.s32 $0x0;
	s20 =	simm.s32 $0x9C00  }
0x5b: {  	[tilespmem:s20], [sflag:$0x1] =	stream.indirect_vreg.gather [hbm4b:s3+s13], $0x80, v5, vm0, $0xb8;
	[tilespmem:$0x19C00] =	vst v63  }
0x5c: {  	s15 =	simm.s32 $0xA400  }
0x5d: {  	[tilespmem:s15], [sflag:$0x1] =	stream.indirect_vreg.gather [hbm4b:s3+s13], $0x80, v4, vm0, $0xb8;
	[tilespmem:$0x19C00] =	vst v63  }
0x5e: {  	v4 =	vld [tilespmem:$0x10];
	_ =	sdelay $0x4  }
0x5f: {  	v5 =	vshrl.u32 v4, $0x3  }
0x60: {  	v5 =	vmul.u32 $0x18, v5  }
0x61: {  	v4 =	vand.u32 $0x7, v4  }
0x62: {  	v4 =	vor.u32 v4, v5  }
0x63: {  	v5 =	vperm.xlane v4, v1;
	_ =	sdelay $0x1  }
0x64: {  	v4 =	vperm.xlane v4, v3;
	v5 =	vadd.s32 v2, v5;
	_ =	sdelay $0x1  }
0x65: {  	v4 =	vadd.s32 v2, v4;
	_ =	sdelay $0x1  }
0x66: {  	s16 =	simm.s32 $0xAC00  }
0x67: {  	[tilespmem:s16], [sflag:$0x1] =	stream.indirect_vreg.gather [hbm4b:s3+s13], $0x80, v5, vm0, $0xb8;
	[tilespmem:$0x19C00] =	vst v63  }
0x68: {  	s17 =	simm.s32 $0xB400  }
0x69: {  	[tilespmem:s17], [sflag:$0x1] =	stream.indirect_vreg.gather [hbm4b:s3+s13], $0x80, v4, vm0, $0xb8;
	[tilespmem:$0x19C00] =	vst v63  }
0x6a: {  	v4 =	vld [tilespmem:$0x20];
	_ =	sdelay $0x4  }
0x6b: {  	v5 =	vshrl.u32 v4, $0x3  }
0x6c: {  	v5 =	vmul.u32 $0x18, v5  }
0x6d: {  	v4 =	vand.u32 $0x7, v4  }
0x6e: {  	v4 =	vor.u32 v4, v5  }
0x6f: {  	v5 =	vperm.xlane v4, v1;
	_ =	sdelay $0x1  }
0x70: {  	v4 =	vperm.xlane v4, v3;
	v5 =	vadd.s32 v2, v5;
	_ =	sdelay $0x1  }
0x71: {  	v4 =	vadd.s32 v2, v4;
	_ =	sdelay $0x1  }
0x72: {  	s18 =	simm.s32 $0xBC00  }
0x73: {  	[tilespmem:s18], [sflag:$0x1] =	stream.indirect_vreg.gather [hbm4b:s3+s13], $0x80, v5, vm0, $0xb8;
	[tilespmem:$0x19C00] =	vst v63  }
0x74: {  	s19 =	simm.s32 $0xC400  }
0x75: {  	[tilespmem:s19], [sflag:$0x1] =	stream.indirect_vreg.gather [hbm4b:s3+s13], $0x80, v4, vm0, $0xb8;
	[tilespmem:$0x19C00] =	vst v63  }
0x76: {  	v4 =	vld [tilespmem:$0x30];
	_ =	sdelay $0x4  }
0x77: {  	v5 =	vshrl.u32 v4, $0x3  }
0x78: {  	v5 =	vmul.u32 $0x18, v5  }
0x79: {  	v4 =	vand.u32 $0x7, v4  }
0x7a: {  	v4 =	vor.u32 v4, v5  }
0x7b: {  	v5 =	vperm.xlane v4, v1;
	_ =	sdelay $0x1  }
0x7c: {  	v4 =	vperm.xlane v4, v3;
	v5 =	vadd.s32 v2, v5;
	_ =	sdelay $0x1  }
0x7d: {  	v4 =	vadd.s32 v2, v4;
	_ =	sdelay $0x1  }
0x7e: {  	s20 =	simm.s32 $0xCC00  }
0x7f: {  	[tilespmem:s20], [sflag:$0x1] =	stream.indirect_vreg.gather [hbm4b:s3+s13], $0x80, v5, vm0, $0xb8;
	[tilespmem:$0x19C00] =	vst v63  }
0x80: {  	s15 =	simm.s32 $0xD400  }
0x81: {  	[tilespmem:s15], [sflag:$0x1] =	stream.indirect_vreg.gather [hbm4b:s3+s13], $0x80, v4, vm0, $0xb8;
	[tilespmem:$0x19C00] =	vst v63  }
0x82: {  	v4 =	vld [tilespmem:$0x40];
	_ =	sdelay $0x4  }
0x83: {  	v5 =	vshrl.u32 v4, $0x3  }
0x84: {  	v5 =	vmul.u32 $0x18, v5  }
0x85: {  	v4 =	vand.u32 $0x7, v4  }
0x86: {  	v4 =	vor.u32 v4, v5  }
0x87: {  	v5 =	vperm.xlane v4, v1;
	_ =	sdelay $0x1  }
0x88: {  	v4 =	vperm.xlane v4, v3;
	v5 =	vadd.s32 v2, v5;
	_ =	sdelay $0x1  }
0x89: {  	v4 =	vadd.s32 v2, v4;
	_ =	sdelay $0x1  }
0x8a: {  	s16 =	simm.s32 $0xDC00  }
0x8b: {  	[tilespmem:s16], [sflag:$0x1] =	stream.indirect_vreg.gather [hbm4b:s3+s13], $0x80, v5, vm0, $0xb8;
	[tilespmem:$0x19C00] =	vst v63  }
0x8c: {  	s17 =	simm.s32 $0xE400  }
0x8d: {  	[tilespmem:s17], [sflag:$0x1] =	stream.indirect_vreg.gather [hbm4b:s3+s13], $0x80, v4, vm0, $0xb8;
	[tilespmem:$0x19C00] =	vst v63  }
0x8e: {  	v4 =	vld [tilespmem:$0x50];
	_ =	sdelay $0x4  }
0x8f: {  	v5 =	vshrl.u32 v4, $0x3  }
0x90: {  	v5 =	vmul.u32 $0x18, v5  }
0x91: {  	v4 =	vand.u32 $0x7, v4  }
0x92: {  	v4 =	vor.u32 v4, v5  }
0x93: {  	v5 =	vperm.xlane v4, v1;
	_ =	sdelay $0x1  }
0x94: {  	v4 =	vperm.xlane v4, v3;
	v5 =	vadd.s32 v2, v5;
	_ =	sdelay $0x1  }
0x95: {  	v4 =	vadd.s32 v2, v4;
	_ =	sdelay $0x1  }
0x96: {  	s18 =	simm.s32 $0xEC00  }
0x97: {  	[tilespmem:s18], [sflag:$0x1] =	stream.indirect_vreg.gather [hbm4b:s3+s13], $0x80, v5, vm0, $0xb8;
	[tilespmem:$0x19C00] =	vst v63  }
0x98: {  	s19 =	simm.s32 $0xF400  }
0x99: {  	[tilespmem:s19], [sflag:$0x1] =	stream.indirect_vreg.gather [hbm4b:s3+s13], $0x80, v4, vm0, $0xb8;
	[tilespmem:$0x19C00] =	vst v63  }
0x9a: {  	v4 =	vld [tilespmem:$0x60];
	_ =	sdelay $0x4  }
0x9b: {  	v5 =	vshrl.u32 v4, $0x3  }
0x9c: {  	v5 =	vmul.u32 $0x18, v5  }
0x9d: {  	v4 =	vand.u32 $0x7, v4  }
0x9e: {  	v4 =	vor.u32 v4, v5  }
0x9f: {  	v5 =	vperm.xlane v4, v1;
	_ =	sdelay $0x1  }
0xa0: {  	v4 =	vperm.xlane v4, v3;
	v5 =	vadd.s32 v2, v5;
	_ =	sdelay $0x1  }
0xa1: {  	v4 =	vadd.s32 v2, v4;
	_ =	sdelay $0x1  }
0xa2: {  	s20 =	simm.s32 $0xFC00  }
0xa3: {  	[tilespmem:s20], [sflag:$0x1] =	stream.indirect_vreg.gather [hbm4b:s3+s13], $0x80, v5, vm0, $0xb8;
	[tilespmem:$0x19C00] =	vst v63  }
0xa4: {  	_ = 	snop  }
0xa5: {  	[tilespmem:s21], [sflag:$0x1] =	stream.indirect_vreg.gather [hbm4b:s3+s13], $0x80, v4, vm0, $0xb8;
	[tilespmem:$0x19C00] =	vst v63  }
0xa6: {  	v4 =	vld [tilespmem:$0x70];
	_ =	sdelay $0x4  }
0xa7: {  	v5 =	vshrl.u32 v4, $0x3  }
0xa8: {  	v5 =	vmul.u32 $0x18, v5  }
0xa9: {  	v4 =	vand.u32 $0x7, v4  }
0xaa: {  	v4 =	vor.u32 v4, v5  }
0xab: {  	v5 =	vperm.xlane v4, v1;
	_ =	sdelay $0x1  }
0xac: {  	v4 =	vperm.xlane v4, v3;
	v5 =	vadd.s32 v2, v5;
	_ =	sdelay $0x1  }
0xad: {  	v4 =	vadd.s32 v2, v4;
	_ =	sdelay $0x2  }
0xae: {  	[tilespmem:s22], [sflag:$0x1] =	stream.indirect_vreg.gather [hbm4b:s3+s13], $0x80, v5, vm0, $0xb8;
	[tilespmem:$0x19C00] =	vst v63  }
0xaf: {  	_ = 	snop  }
0xb0: {  	[tilespmem:s23], [sflag:$0x1] =	stream.indirect_vreg.gather [hbm4b:s3+s13], $0x80, v4, vm0, $0xb8;
	[tilespmem:$0x19C00] =	vst v63  }
0xb1: {  	v4 =	vld [tilespmem:$0x80];
	_ =	sdelay $0x4  }
0xb2: {  	v5 =	vshrl.u32 v4, $0x3  }
0xb3: {  	v5 =	vmul.u32 $0x18, v5  }
0xb4: {  	v4 =	vand.u32 $0x7, v4  }
0xb5: {  	v4 =	vor.u32 v4, v5  }
0xb6: {  	v5 =	vperm.xlane v4, v1;
	_ =	sdelay $0x1  }
0xb7: {  	v4 =	vperm.xlane v4, v3;
	v5 =	vadd.s32 v2, v5;
	_ =	sdelay $0x1  }
0xb8: {  	v4 =	vadd.s32 v2, v4;
	_ =	sdelay $0x2  }
0xb9: {  	[tilespmem:s24], [sflag:$0x2] =	stream.indirect_vreg.gather [hbm4b:s3+s13], $0x80, v5, vm0, $0xb8;
	[tilespmem:$0x19C00] =	vst v63  }
0xba: {  	_ = 	snop  }
0xbb: {  	[tilespmem:s25], [sflag:$0x2] =	stream.indirect_vreg.gather [hbm4b:s3+s13], $0x80, v4, vm0, $0xb8;
	[tilespmem:$0x19C00] =	vst v63  }
0xbc: {  	v4 =	vld [tilespmem:$0x90];
	_ =	sdelay $0x4  }
0xbd: {  	v5 =	vshrl.u32 v4, $0x3  }
0xbe: {  	v5 =	vmul.u32 $0x18, v5  }
0xbf: {  	v4 =	vand.u32 $0x7, v4  }
0xc0: {  	v4 =	vor.u32 v4, v5  }
0xc1: {  	v5 =	vperm.xlane v4, v1;
	_ =	sdelay $0x1  }
0xc2: {  	v4 =	vperm.xlane v4, v3;
	v5 =	vadd.s32 v2, v5;
	_ =	sdelay $0x1  }
0xc3: {  	v4 =	vadd.s32 v2, v4;
	_ =	sdelay $0x2  }
0xc4: {  	[tilespmem:s26], [sflag:$0x2] =	stream.indirect_vreg.gather [hbm4b:s3+s13], $0x80, v5, vm0, $0xb8;
	[tilespmem:$0x19C00] =	vst v63  }
0xc5: {  	_ = 	snop  }
0xc6: {  	[tilespmem:s28], [sflag:$0x2] =	stream.indirect_vreg.gather [hbm4b:s3+s13], $0x80, v4, vm0, $0xb8;
	[tilespmem:$0x19C00] =	vst v63  }
0xc7: {  	v4 =	vld [tilespmem:$0xA0];
	_ =	sdelay $0x4  }
0xc8: {  	v5 =	vshrl.u32 v4, $0x3  }
0xc9: {  	v5 =	vmul.u32 $0x18, v5  }
0xca: {  	v4 =	vand.u32 $0x7, v4  }
0xcb: {  	v4 =	vor.u32 v4, v5  }
0xcc: {  	v5 =	vperm.xlane v4, v1;
	_ =	sdelay $0x1  }
0xcd: {  	v4 =	vperm.xlane v4, v3;
	v5 =	vadd.s32 v2, v5;
	_ =	sdelay $0x1  }
0xce: {  	v4 =	vadd.s32 v2, v4;
	_ =	sdelay $0x2  }
0xcf: {  	[tilespmem:s29], [sflag:$0x2] =	stream.indirect_vreg.gather [hbm4b:s3+s13], $0x80, v5, vm0, $0xb8;
	[tilespmem:$0x19C00] =	vst v63  }
0xd0: {  	_ = 	snop  }
0xd1: {  	[tilespmem:s30], [sflag:$0x2] =	stream.indirect_vreg.gather [hbm4b:s3+s13], $0x80, v4, vm0, $0xb8;
	[tilespmem:$0x19C00] =	vst v63  }
0xd2: {  	v4 =	vld [tilespmem:$0xB0];
	_ =	sdelay $0x4  }
0xd3: {  	v5 =	vshrl.u32 v4, $0x3  }
0xd4: {  	v5 =	vmul.u32 $0x18, v5  }
0xd5: {  	v4 =	vand.u32 $0x7, v4  }
0xd6: {  	v4 =	vor.u32 v4, v5  }
0xd7: {  	v5 =	vperm.xlane v4, v1;
	_ =	sdelay $0x1  }
0xd8: {  	v4 =	vperm.xlane v4, v3;
	v5 =	vadd.s32 v2, v5;
	_ =	sdelay $0x1  }
0xd9: {  	v4 =	vadd.s32 v2, v4;
	_ =	sdelay $0x2  }
0xda: {  	[tilespmem:s31], [sflag:$0x2] =	stream.indirect_vreg.gather [hbm4b:s3+s13], $0x80, v5, vm0, $0xb8;
	[tilespmem:$0x19C00] =	vst v63  }
0xdb: {  	_ = 	snop  }
0xdc: {  	[tilespmem:s1], [sflag:$0x2] =	stream.indirect_vreg.gather [hbm4b:s3+s13], $0x80, v4, vm0, $0xb8;
	[tilespmem:$0x19C00] =	vst v63  }
0xdd: {  	v4 =	vld [tilespmem:$0xC0];
	_ =	sdelay $0x4  }
0xde: {  	v5 =	vshrl.u32 v4, $0x3  }
0xdf: {  	v5 =	vmul.u32 $0x18, v5  }
0xe0: {  	v4 =	vand.u32 $0x7, v4  }
0xe1: {  	v4 =	vor.u32 v4, v5  }
0xe2: {  	v5 =	vperm.xlane v4, v1;
	_ =	sdelay $0x1  }
0xe3: {  	v4 =	vperm.xlane v4, v3;
	v5 =	vadd.s32 v2, v5;
	_ =	sdelay $0x1  }
0xe4: {  	v4 =	vadd.s32 v2, v4;
	_ =	sdelay $0x2  }
0xe5: {  	[tilespmem:s0], [sflag:$0x2] =	stream.indirect_vreg.gather [hbm4b:s3+s13], $0x80, v5, vm0, $0xb8;
	[tilespmem:$0x19C00] =	vst v63  }
0xe6: {  	_ = 	snop  }
0xe7: {  	[tilespmem:s4], [sflag:$0x2] =	stream.indirect_vreg.gather [hbm4b:s3+s13], $0x80, v4, vm0, $0xb8;
	[tilespmem:$0x19C00] =	vst v63  }
0xe8: {  	v4 =	vld [tilespmem:$0xD0];
	_ =	sdelay $0x4  }
0xe9: {  	v5 =	vshrl.u32 v4, $0x3  }
0xea: {  	v5 =	vmul.u32 $0x18, v5  }
0xeb: {  	v4 =	vand.u32 $0x7, v4  }
0xec: {  	v4 =	vor.u32 v4, v5  }
0xed: {  	v5 =	vperm.xlane v4, v1;
	_ =	sdelay $0x1  }
0xee: {  	v4 =	vperm.xlane v4, v3;
	v5 =	vadd.s32 v2, v5;
	_ =	sdelay $0x1  }
0xef: {  	v4 =	vadd.s32 v2, v4;
	_ =	sdelay $0x2  }
0xf0: {  	[tilespmem:s5], [sflag:$0x2] =	stream.indirect_vreg.gather [hbm4b:s3+s13], $0x80, v5, vm0, $0xb8;
	[tilespmem:$0x19C00] =	vst v63  }
0xf1: {  	_ = 	snop  }
0xf2: {  	[tilespmem:s6], [sflag:$0x2] =	stream.indirect_vreg.gather [hbm4b:s3+s13], $0x80, v4, vm0, $0xb8;
	[tilespmem:$0x19C00] =	vst v63  }
0xf3: {  	v4 =	vld [tilespmem:$0xE0];
	_ =	sdelay $0x4  }
0xf4: {  	v5 =	vshrl.u32 v4, $0x3  }
0xf5: {  	v5 =	vmul.u32 $0x18, v5  }
0xf6: {  	v4 =	vand.u32 $0x7, v4  }
0xf7: {  	v4 =	vor.u32 v4, v5  }
0xf8: {  	v5 =	vperm.xlane v4, v1;
	_ =	sdelay $0x1  }
0xf9: {  	v4 =	vperm.xlane v4, v3;
	v5 =	vadd.s32 v2, v5;
	_ =	sdelay $0x1  }
0xfa: {  	v4 =	vadd.s32 v2, v4;
	_ =	sdelay $0x2  }
0xfb: {  	[tilespmem:s7], [sflag:$0x2] =	stream.indirect_vreg.gather [hbm4b:s3+s13], $0x80, v5, vm0, $0xb8;
	[tilespmem:$0x19C00] =	vst v63  }
0xfc: {  	_ = 	snop  }
0xfd: {  	[tilespmem:s8], [sflag:$0x2] =	stream.indirect_vreg.gather [hbm4b:s3+s13], $0x80, v4, vm0, $0xb8;
	[tilespmem:$0x19C00] =	vst v63  }
0xfe: {  	v4 =	vld [tilespmem:$0xF0];
	_ =	sdelay $0x4  }
0xff: {  	v5 =	vshrl.u32 v4, $0x3  }
0x100: {  	v5 =	vmul.u32 $0x18, v5  }
0x101: {  	v4 =	vand.u32 $0x7, v4  }
0x102: {  	v4 =	vor.u32 v4, v5  }
0x103: {  	v5 =	vperm.xlane v4, v1;
	_ =	sdelay $0x1  }
0x104: {  	v4 =	vperm.xlane v4, v3;
	v5 =	vadd.s32 v2, v5;
	_ =	sdelay $0x1  }
0x105: {  	v4 =	vadd.s32 v2, v4;
	_ =	sdelay $0x2  }
0x106: {  	[tilespmem:s9], [sflag:$0x2] =	stream.indirect_vreg.gather [hbm4b:s3+s13], $0x80, v5, vm0, $0xb8;
	[tilespmem:$0x19C00] =	vst v63  }
0x107: {  	s14 =	simm.s32 $0x0  }
0x108: {  	[tilespmem:s10], [sflag:$0x2] =	stream.indirect_vreg.gather [hbm4b:s3+s13], $0x80, v4, vm0, $0xb8;
	[tilespmem:$0x19C00] =	vst v63  }
.LBB2_4:
0x109: {  	_ =	swait.ge [sflag:s11], $0x8000  }
0x10a: {  	s15 =	sand.u32 $0x7800, s13;
	s16 =	sand.u32 $0x380, s13;
	[sflag:s11] =	ssyncset.done $0x0  }
0x10b: {  	s15 =	sor.u32 s16, s15;
	[sflag:s11] =	ssyncadd.s32 $0xFFFF8000  }
0x10c: {  	v4 =	vld [tilespmem:s15+$0xA070]  }
0x10d: {  	v5 =	vld [tilespmem:s15+$0x9C00]  }
0x10e: {  	v6 =	vld [tilespmem:s15+$0x9C10]  }
0x10f: {  	v7 =	vld [tilespmem:s15+$0x9C20]  }
0x110: {  	v8 =	vld [tilespmem:s15+$0x9C30]  }
0x111: {  	v9 =	vld [tilespmem:s15+$0x9C40]  }
0x112: {  	v10 =	vld [tilespmem:s15+$0x9C50]  }
0x113: {  	v11 =	vld [tilespmem:s15+$0x9C60]  }
0x114: {  	v12 =	vld [tilespmem:s15+$0x9C70]  }
0x115: {  	v13 =	vld [tilespmem:s15+$0xA000]  }
0x116: {  	v14 =	vld [tilespmem:s15+$0xA010]  }
0x117: {  	v15 =	vld [tilespmem:s15+$0xA020]  }
0x118: {  	v16 =	vld [tilespmem:s15+$0xA030]  }
0x119: {  	v17 =	vld [tilespmem:s15+$0xA040]  }
0x11a: {  	v18 =	vld [tilespmem:s15+$0xA050]  }
0x11b: {  	[tilespmem:s15+$0x2070] =	vst.add.f32.msk $0xffff, v4  }
0x11c: {  	v4 =	vld [tilespmem:s15+$0xA060]  }
0x11d: {  	[tilespmem:s15+$0x1C00] =	vst.add.f32.msk $0xffff, v5  }
0x11e: {  	[tilespmem:s15+$0x1C10] =	vst.add.f32.msk $0xffff, v6  }
0x11f: {  	[tilespmem:s15+$0x1C20] =	vst.add.f32.msk $0xffff, v7  }
0x120: {  	[tilespmem:s15+$0x1C30] =	vst.add.f32.msk $0xffff, v8  }
0x121: {  	[tilespmem:s15+$0x1C40] =	vst.add.f32.msk $0xffff, v9  }
0x122: {  	[tilespmem:s15+$0x1C50] =	vst.add.f32.msk $0xffff, v10  }
0x123: {  	[tilespmem:s15+$0x1C60] =	vst.add.f32.msk $0xffff, v11  }
0x124: {  	[tilespmem:s15+$0x1C70] =	vst.add.f32.msk $0xffff, v12  }
0x125: {  	[tilespmem:s15+$0x2000] =	vst.add.f32.msk $0xffff, v13  }
0x126: {  	[tilespmem:s15+$0x2010] =	vst.add.f32.msk $0xffff, v14  }
0x127: {  	[tilespmem:s15+$0x2020] =	vst.add.f32.msk $0xffff, v15  }
0x128: {  	[tilespmem:s15+$0x2030] =	vst.add.f32.msk $0xffff, v16  }
0x129: {  	s17 =	simm.s32 $0x100;
	s16 =	simm.s32 $0x80;
	[tilespmem:s15+$0x2040] =	vst.add.f32.msk $0xffff, v17  }
0x12a: {  	s18 =	sand.u32 $0x7800, s17;
	s17 =	simm.s32 $0x200;
	s19 =	sand.u32 $0x380, s16;
	[tilespmem:s15+$0x2050] =	vst.add.f32.msk $0xffff, v18  }
.LBB2_5:
0x12b: {  	p0 =	sne.s32 s17, $0x7F00;
	[tilespmem:s15+$0x2060] =	vst.add.f32.msk $0xffff, v4;
	s15 =	sor.u32 s19, s18  }
0x12c: {  	v4 =	vld [tilespmem:s15+$0xA070]  }
0x12d: {  	v5 =	vld [tilespmem:s15+$0x9C00]  }
0x12e: {  	v6 =	vld [tilespmem:s15+$0x9C10]  }
0x12f: {  	v7 =	vld [tilespmem:s15+$0x9C20]  }
0x130: {  	v8 =	vld [tilespmem:s15+$0x9C30]  }
0x131: {  	[tilespmem:s15+$0x2070] =	vst.add.f32.msk $0xffff, v4  }
0x132: {  	v9 =	vld [tilespmem:s15+$0x9C40]  }
0x133: {  	v10 =	vld [tilespmem:s15+$0x9C50]  }
0x134: {  	v11 =	vld [tilespmem:s15+$0x9C60]  }
0x135: {  	v12 =	vld [tilespmem:s15+$0x9C70]  }
0x136: {  	v13 =	vld [tilespmem:s15+$0xA000]  }
0x137: {  	v14 =	vld [tilespmem:s15+$0xA010]  }
0x138: {  	v15 =	vld [tilespmem:s15+$0xA020]  }
0x139: {  	v16 =	vld [tilespmem:s15+$0xA030]  }
0x13a: {  	v17 =	vld [tilespmem:s15+$0xA040]  }
0x13b: {  	v18 =	vld [tilespmem:s15+$0xA050]  }
0x13c: {  	v4 =	vld [tilespmem:s15+$0xA060]  }
0x13d: {  	[tilespmem:s15+$0x1C00] =	vst.add.f32.msk $0xffff, v5  }
0x13e: {  	[tilespmem:s15+$0x1C10] =	vst.add.f32.msk $0xffff, v6  }
0x13f: {  	[tilespmem:s15+$0x1C20] =	vst.add.f32.msk $0xffff, v7  }
0x140: {  	[tilespmem:s15+$0x1C30] =	vst.add.f32.msk $0xffff, v8  }
0x141: {  	[tilespmem:s15+$0x1C40] =	vst.add.f32.msk $0xffff, v9  }
0x142: {  	[tilespmem:s15+$0x1C50] =	vst.add.f32.msk $0xffff, v10  }
0x143: {  	[tilespmem:s15+$0x1C60] =	vst.add.f32.msk $0xffff, v11  }
0x144: {  	[tilespmem:s15+$0x1C70] =	vst.add.f32.msk $0xffff, v12  }
0x145: {  	[tilespmem:s15+$0x2000] =	vst.add.f32.msk $0xffff, v13  }
.Ltmp3:
0x146: {  	[tilespmem:s15+$0x2010] =	vst.add.f32.msk $0xffff, v14;
	(pc) =	sbr.rel @p0 .LBB2_5-.Ltmp3, $4  }
0x147: {  	[tilespmem:s15+$0x2020] =	vst.add.f32.msk $0xffff, v15  }
0x148: {  	[tilespmem:s15+$0x2030] =	vst.add.f32.msk $0xffff, v16  }
0x149: {  	s16 =	sadd.s32 $0x80, s16;
	[tilespmem:s15+$0x2040] =	vst.add.f32.msk $0xffff, v17  }
0x14a: {  	s18 =	sand.u32 $0x7800, s17;
	s17 =	sadd.s32 $0x100, s17;
	s19 =	sand.u32 $0x380, s16;
	[tilespmem:s15+$0x2050] =	vst.add.f32.msk $0xffff, v18  }
0x14b: {  	s16 =	sor.u32 s19, s18;
	[tilespmem:s15+$0x2060] =	vst.add.f32.msk $0xffff, v4  }
0x14c: {  	v4 =	vld [tilespmem:s16+$0xA070]  }
0x14d: {  	v5 =	vld [tilespmem:s16+$0x9C00]  }
0x14e: {  	v6 =	vld [tilespmem:s16+$0x9C10]  }
0x14f: {  	v7 =	vld [tilespmem:s16+$0x9C20]  }
0x150: {  	v8 =	vld [tilespmem:s16+$0x9C30]  }
0x151: {  	v9 =	vld [tilespmem:s16+$0x9C50]  }
0x152: {  	v10 =	vld [tilespmem:s16+$0x9C60]  }
0x153: {  	v11 =	vld [tilespmem:s16+$0x9C70]  }
0x154: {  	v12 =	vld [tilespmem:s16+$0xA000]  }
0x155: {  	v13 =	vld [tilespmem:s16+$0xA010]  }
0x156: {  	v14 =	vld [tilespmem:s16+$0xA020]  }
0x157: {  	v15 =	vld [tilespmem:s16+$0xA030]  }
0x158: {  	v16 =	vld [tilespmem:s16+$0xA040]  }
0x159: {  	v17 =	vld [tilespmem:s16+$0xA050]  }
0x15a: {  	v18 =	vld [tilespmem:s16+$0xA060]  }
0x15b: {  	[tilespmem:s16+$0x2070] =	vst.add.f32.msk $0xffff, v4  }
0x15c: {  	v4 =	vld [tilespmem:s16+$0x9C40]  }
0x15d: {  	[tilespmem:s16+$0x1C00] =	vst.add.f32.msk $0xffff, v5  }
0x15e: {  	[tilespmem:s16+$0x1C10] =	vst.add.f32.msk $0xffff, v6  }
0x15f: {  	[tilespmem:s16+$0x1C20] =	vst.add.f32.msk $0xffff, v7  }
0x160: {  	[tilespmem:s16+$0x1C30] =	vst.add.f32.msk $0xffff, v8  }
0x161: {  	[tilespmem:s16+$0x1C50] =	vst.add.f32.msk $0xffff, v9  }
0x162: {  	[tilespmem:s16+$0x1C60] =	vst.add.f32.msk $0xffff, v10  }
0x163: {  	[tilespmem:s16+$0x1C70] =	vst.add.f32.msk $0xffff, v11  }
0x164: {  	[tilespmem:s16+$0x2000] =	vst.add.f32.msk $0xffff, v12  }
0x165: {  	[tilespmem:s16+$0x2010] =	vst.add.f32.msk $0xffff, v13  }
0x166: {  	p0 =	seq.s32 s14, $0x18;
	[tilespmem:s16+$0x2020] =	vst.add.f32.msk $0xffff, v14  }
.Ltmp4:
0x167: {  	[tilespmem:s16+$0x2030] =	vst.add.f32.msk $0xffff, v15;
	(pc) =	sbr.rel @p0 .LBB2_8-.Ltmp4, $4  }
0x168: {  	[tilespmem:s16+$0x2040] =	vst.add.f32.msk $0xffff, v16  }
0x169: {  	[tilespmem:s16+$0x2050] =	vst.add.f32.msk $0xffff, v17  }
0x16a: {  	[tilespmem:s16+$0x2060] =	vst.add.f32.msk $0xffff, v18  }
0x16b: {  	s15 =	sshll.u32 s14, $0xA;
	[tilespmem:s16+$0x1C40] =	vst.add.f32.msk $0xffff, v4  }
0x16c: {  	s16 =	sshrl.u32 s15, $0x2  }
0x16d: {  	v4 =	vld [tilespmem:s16+$0x100];
	_ =	sdelay $0x4  }
0x16e: {  	v5 =	vshrl.u32 v4, $0x3  }
0x16f: {  	v5 =	vmul.u32 $0x18, v5  }
0x170: {  	v4 =	vand.u32 $0x7, v4  }
0x171: {  	v4 =	vor.u32 v4, v5  }
0x172: {  	v5 =	vperm.xlane v4, v1;
	_ =	sdelay $0x1  }
0x173: {  	v4 =	vperm.xlane v4, v3;
	v5 =	vadd.s32 v2, v5;
	_ =	sdelay $0x1  }
0x174: {  	v4 =	vadd.s32 v2, v4;
	_ =	sdelay $0x1  }
0x175: {  	s17 =	simm.s32 $0x9C00  }
0x176: {  	[tilespmem:s17], [sflag:$0x1] =	stream.indirect_vreg.gather [hbm4b:s3+s2], $0x80, v5, vm0, $0xb8;
	[tilespmem:$0x19C00] =	vst v63  }
0x177: {  	s18 =	simm.s32 $0xA400  }
0x178: {  	[tilespmem:s18], [sflag:$0x1] =	stream.indirect_vreg.gather [hbm4b:s3+s2], $0x80, v4, vm0, $0xb8;
	[tilespmem:$0x19C00] =	vst v63  }
0x179: {  	v4 =	vld [tilespmem:s16+$0x110];
	_ =	sdelay $0x4  }
0x17a: {  	v5 =	vshrl.u32 v4, $0x3  }
0x17b: {  	v5 =	vmul.u32 $0x18, v5  }
0x17c: {  	v4 =	vand.u32 $0x7, v4  }
0x17d: {  	v4 =	vor.u32 v4, v5  }
0x17e: {  	v5 =	vperm.xlane v4, v1;
	_ =	sdelay $0x1  }
0x17f: {  	v4 =	vperm.xlane v4, v3;
	v5 =	vadd.s32 v2, v5;
	_ =	sdelay $0x1  }
0x180: {  	v4 =	vadd.s32 v2, v4;
	_ =	sdelay $0x1  }
0x181: {  	s19 =	simm.s32 $0xAC00  }
0x182: {  	[tilespmem:s19], [sflag:$0x1] =	stream.indirect_vreg.gather [hbm4b:s3+s2], $0x80, v5, vm0, $0xb8;
	[tilespmem:$0x19C00] =	vst v63  }
0x183: {  	s20 =	simm.s32 $0xB400  }
0x184: {  	[tilespmem:s20], [sflag:$0x1] =	stream.indirect_vreg.gather [hbm4b:s3+s2], $0x80, v4, vm0, $0xb8;
	[tilespmem:$0x19C00] =	vst v63  }
0x185: {  	v4 =	vld [tilespmem:s16+$0x120];
	_ =	sdelay $0x4  }
0x186: {  	v5 =	vshrl.u32 v4, $0x3  }
0x187: {  	v5 =	vmul.u32 $0x18, v5  }
0x188: {  	v4 =	vand.u32 $0x7, v4  }
0x189: {  	v4 =	vor.u32 v4, v5  }
0x18a: {  	v5 =	vperm.xlane v4, v1;
	_ =	sdelay $0x1  }
0x18b: {  	v4 =	vperm.xlane v4, v3;
	v5 =	vadd.s32 v2, v5;
	_ =	sdelay $0x1  }
0x18c: {  	v4 =	vadd.s32 v2, v4;
	_ =	sdelay $0x1  }
0x18d: {  	s18 =	simm.s32 $0xBC00  }
0x18e: {  	[tilespmem:s18], [sflag:$0x1] =	stream.indirect_vreg.gather [hbm4b:s3+s2], $0x80, v5, vm0, $0xb8;
	[tilespmem:$0x19C00] =	vst v63  }
0x18f: {  	s19 =	simm.s32 $0xC400  }
0x190: {  	[tilespmem:s19], [sflag:$0x1] =	stream.indirect_vreg.gather [hbm4b:s3+s2], $0x80, v4, vm0, $0xb8;
	[tilespmem:$0x19C00] =	vst v63  }
0x191: {  	v4 =	vld [tilespmem:s16+$0x130];
	_ =	sdelay $0x4  }
0x192: {  	v5 =	vshrl.u32 v4, $0x3  }
0x193: {  	v5 =	vmul.u32 $0x18, v5  }
0x194: {  	v4 =	vand.u32 $0x7, v4  }
0x195: {  	v4 =	vor.u32 v4, v5  }
0x196: {  	v5 =	vperm.xlane v4, v1;
	_ =	sdelay $0x1  }
0x197: {  	v4 =	vperm.xlane v4, v3;
	v5 =	vadd.s32 v2, v5;
	_ =	sdelay $0x1  }
0x198: {  	v4 =	vadd.s32 v2, v4;
	_ =	sdelay $0x1  }
0x199: {  	s20 =	simm.s32 $0xCC00  }
0x19a: {  	[tilespmem:s20], [sflag:$0x1] =	stream.indirect_vreg.gather [hbm4b:s3+s2], $0x80, v5, vm0, $0xb8;
	[tilespmem:$0x19C00] =	vst v63  }
0x19b: {  	s18 =	simm.s32 $0xD400  }
0x19c: {  	[tilespmem:s18], [sflag:$0x1] =	stream.indirect_vreg.gather [hbm4b:s3+s2], $0x80, v4, vm0, $0xb8;
	[tilespmem:$0x19C00] =	vst v63  }
0x19d: {  	v4 =	vld [tilespmem:s16+$0x140];
	_ =	sdelay $0x4  }
0x19e: {  	v5 =	vshrl.u32 v4, $0x3  }
0x19f: {  	v5 =	vmul.u32 $0x18, v5  }
0x1a0: {  	v4 =	vand.u32 $0x7, v4  }
0x1a1: {  	v4 =	vor.u32 v4, v5  }
0x1a2: {  	v5 =	vperm.xlane v4, v1;
	_ =	sdelay $0x1  }
0x1a3: {  	v4 =	vperm.xlane v4, v3;
	v5 =	vadd.s32 v2, v5;
	_ =	sdelay $0x1  }
0x1a4: {  	v4 =	vadd.s32 v2, v4;
	_ =	sdelay $0x1  }
0x1a5: {  	s19 =	simm.s32 $0xDC00  }
0x1a6: {  	[tilespmem:s19], [sflag:$0x1] =	stream.indirect_vreg.gather [hbm4b:s3+s2], $0x80, v5, vm0, $0xb8;
	[tilespmem:$0x19C00] =	vst v63  }
0x1a7: {  	s20 =	simm.s32 $0xE400  }
0x1a8: {  	[tilespmem:s20], [sflag:$0x1] =	stream.indirect_vreg.gather [hbm4b:s3+s2], $0x80, v4, vm0, $0xb8;
	[tilespmem:$0x19C00] =	vst v63  }
0x1a9: {  	v4 =	vld [tilespmem:s16+$0x150];
	_ =	sdelay $0x4  }
0x1aa: {  	v5 =	vshrl.u32 v4, $0x3  }
0x1ab: {  	v5 =	vmul.u32 $0x18, v5  }
0x1ac: {  	v4 =	vand.u32 $0x7, v4  }
0x1ad: {  	v4 =	vor.u32 v4, v5  }
0x1ae: {  	v5 =	vperm.xlane v4, v1;
	_ =	sdelay $0x1  }
0x1af: {  	v4 =	vperm.xlane v4, v3;
	v5 =	vadd.s32 v2, v5;
	_ =	sdelay $0x1  }
0x1b0: {  	v4 =	vadd.s32 v2, v4;
	_ =	sdelay $0x1  }
0x1b1: {  	s18 =	simm.s32 $0xEC00  }
0x1b2: {  	[tilespmem:s18], [sflag:$0x1] =	stream.indirect_vreg.gather [hbm4b:s3+s2], $0x80, v5, vm0, $0xb8;
	[tilespmem:$0x19C00] =	vst v63  }
0x1b3: {  	s19 =	simm.s32 $0xF400  }
0x1b4: {  	[tilespmem:s19], [sflag:$0x1] =	stream.indirect_vreg.gather [hbm4b:s3+s2], $0x80, v4, vm0, $0xb8;
	[tilespmem:$0x19C00] =	vst v63  }
0x1b5: {  	v4 =	vld [tilespmem:s16+$0x160];
	_ =	sdelay $0x4  }
0x1b6: {  	v5 =	vshrl.u32 v4, $0x3  }
0x1b7: {  	v5 =	vmul.u32 $0x18, v5  }
0x1b8: {  	v4 =	vand.u32 $0x7, v4  }
0x1b9: {  	v4 =	vor.u32 v4, v5  }
0x1ba: {  	v5 =	vperm.xlane v4, v1;
	_ =	sdelay $0x1  }
0x1bb: {  	v4 =	vperm.xlane v4, v3;
	v5 =	vadd.s32 v2, v5;
	_ =	sdelay $0x1  }
0x1bc: {  	v4 =	vadd.s32 v2, v4;
	_ =	sdelay $0x1  }
0x1bd: {  	s20 =	simm.s32 $0xFC00  }
0x1be: {  	[tilespmem:s20], [sflag:$0x1] =	stream.indirect_vreg.gather [hbm4b:s3+s2], $0x80, v5, vm0, $0xb8;
	[tilespmem:$0x19C00] =	vst v63  }
0x1bf: {  	_ = 	snop  }
0x1c0: {  	[tilespmem:s21], [sflag:$0x1] =	stream.indirect_vreg.gather [hbm4b:s3+s2], $0x80, v4, vm0, $0xb8;
	[tilespmem:$0x19C00] =	vst v63  }
0x1c1: {  	v4 =	vld [tilespmem:s16+$0x170];
	_ =	sdelay $0x4  }
0x1c2: {  	v5 =	vshrl.u32 v4, $0x3  }
0x1c3: {  	v5 =	vmul.u32 $0x18, v5  }
0x1c4: {  	v4 =	vand.u32 $0x7, v4  }
0x1c5: {  	v4 =	vor.u32 v4, v5  }
0x1c6: {  	v5 =	vperm.xlane v4, v1;
	_ =	sdelay $0x1  }
0x1c7: {  	v4 =	vperm.xlane v4, v3;
	v5 =	vadd.s32 v2, v5;
	_ =	sdelay $0x1  }
0x1c8: {  	v4 =	vadd.s32 v2, v4;
	_ =	sdelay $0x2  }
0x1c9: {  	[tilespmem:s22], [sflag:$0x1] =	stream.indirect_vreg.gather [hbm4b:s3+s2], $0x80, v5, vm0, $0xb8;
	[tilespmem:$0x19C00] =	vst v63  }
0x1ca: {  	_ = 	snop  }
0x1cb: {  	[tilespmem:s23], [sflag:$0x1] =	stream.indirect_vreg.gather [hbm4b:s3+s2], $0x80, v4, vm0, $0xb8;
	[tilespmem:$0x19C00] =	vst v63  }
.LBB2_8:
0x1cc: {  	_ =	swait.ge [sflag:s12], $0x8000;
	s16 =	simm.s32 $0x0  }
0x1cd: {  	[sflag:s12] =	ssyncset.done $0x0;
	s17 =	sand.u32 $0x7800, s16;
	s16 =	sand.u32 $0x380, s16  }
0x1ce: {  	[sflag:s12] =	ssyncadd.s32 $0xFFFF8000;
	s16 =	sor.u32 s16, s17  }
0x1cf: {  	v4 =	vld [tilespmem:s16+$0x12070]  }
0x1d0: {  	v5 =	vld [tilespmem:s16+$0x11C00]  }
0x1d1: {  	v6 =	vld [tilespmem:s16+$0x11C10]  }
0x1d2: {  	v7 =	vld [tilespmem:s16+$0x11C20]  }
0x1d3: {  	v8 =	vld [tilespmem:s16+$0x11C30]  }
0x1d4: {  	v9 =	vld [tilespmem:s16+$0x11C40]  }
0x1d5: {  	v10 =	vld [tilespmem:s16+$0x11C50]  }
0x1d6: {  	v11 =	vld [tilespmem:s16+$0x11C60]  }
0x1d7: {  	v12 =	vld [tilespmem:s16+$0x11C70]  }
0x1d8: {  	v13 =	vld [tilespmem:s16+$0x12000]  }
0x1d9: {  	v14 =	vld [tilespmem:s16+$0x12010]  }
0x1da: {  	v15 =	vld [tilespmem:s16+$0x12020]  }
0x1db: {  	v16 =	vld [tilespmem:s16+$0x12030]  }
0x1dc: {  	v17 =	vld [tilespmem:s16+$0x12040]  }
0x1dd: {  	v18 =	vld [tilespmem:s16+$0x12050]  }
0x1de: {  	[tilespmem:s16+$0x2070] =	vst.add.f32.msk $0xffff, v4  }
0x1df: {  	v4 =	vld [tilespmem:s16+$0x12060]  }
0x1e0: {  	[tilespmem:s16+$0x1C00] =	vst.add.f32.msk $0xffff, v5  }
0x1e1: {  	[tilespmem:s16+$0x1C10] =	vst.add.f32.msk $0xffff, v6  }
0x1e2: {  	[tilespmem:s16+$0x1C20] =	vst.add.f32.msk $0xffff, v7  }
0x1e3: {  	[tilespmem:s16+$0x1C30] =	vst.add.f32.msk $0xffff, v8  }
0x1e4: {  	[tilespmem:s16+$0x1C40] =	vst.add.f32.msk $0xffff, v9  }
0x1e5: {  	[tilespmem:s16+$0x1C50] =	vst.add.f32.msk $0xffff, v10  }
0x1e6: {  	[tilespmem:s16+$0x1C60] =	vst.add.f32.msk $0xffff, v11  }
0x1e7: {  	[tilespmem:s16+$0x1C70] =	vst.add.f32.msk $0xffff, v12  }
0x1e8: {  	[tilespmem:s16+$0x2000] =	vst.add.f32.msk $0xffff, v13  }
0x1e9: {  	[tilespmem:s16+$0x2010] =	vst.add.f32.msk $0xffff, v14  }
0x1ea: {  	[tilespmem:s16+$0x2020] =	vst.add.f32.msk $0xffff, v15  }
0x1eb: {  	[tilespmem:s16+$0x2030] =	vst.add.f32.msk $0xffff, v16  }
0x1ec: {  	s18 =	simm.s32 $0x100;
	s17 =	simm.s32 $0x80;
	[tilespmem:s16+$0x2040] =	vst.add.f32.msk $0xffff, v17  }
0x1ed: {  	s19 =	sand.u32 $0x7800, s18;
	s18 =	simm.s32 $0x200;
	s20 =	sand.u32 $0x380, s17;
	[tilespmem:s16+$0x2050] =	vst.add.f32.msk $0xffff, v18  }
.LBB2_9:
0x1ee: {  	p1 =	sne.s32 s18, $0x7F00;
	[tilespmem:s16+$0x2060] =	vst.add.f32.msk $0xffff, v4;
	s16 =	sor.u32 s20, s19  }
0x1ef: {  	v4 =	vld [tilespmem:s16+$0x12070]  }
0x1f0: {  	v5 =	vld [tilespmem:s16+$0x11C00]  }
0x1f1: {  	v6 =	vld [tilespmem:s16+$0x11C10]  }
0x1f2: {  	v7 =	vld [tilespmem:s16+$0x11C20]  }
0x1f3: {  	v8 =	vld [tilespmem:s16+$0x11C30]  }
0x1f4: {  	[tilespmem:s16+$0x2070] =	vst.add.f32.msk $0xffff, v4  }
0x1f5: {  	v9 =	vld [tilespmem:s16+$0x11C40]  }
0x1f6: {  	v10 =	vld [tilespmem:s16+$0x11C50]  }
0x1f7: {  	v11 =	vld [tilespmem:s16+$0x11C60]  }
0x1f8: {  	v12 =	vld [tilespmem:s16+$0x11C70]  }
0x1f9: {  	v13 =	vld [tilespmem:s16+$0x12000]  }
0x1fa: {  	v14 =	vld [tilespmem:s16+$0x12010]  }
0x1fb: {  	v15 =	vld [tilespmem:s16+$0x12020]  }
0x1fc: {  	v16 =	vld [tilespmem:s16+$0x12030]  }
0x1fd: {  	v17 =	vld [tilespmem:s16+$0x12040]  }
0x1fe: {  	v18 =	vld [tilespmem:s16+$0x12050]  }
0x1ff: {  	v4 =	vld [tilespmem:s16+$0x12060]  }
0x200: {  	[tilespmem:s16+$0x1C00] =	vst.add.f32.msk $0xffff, v5  }
0x201: {  	[tilespmem:s16+$0x1C10] =	vst.add.f32.msk $0xffff, v6  }
0x202: {  	[tilespmem:s16+$0x1C20] =	vst.add.f32.msk $0xffff, v7  }
0x203: {  	[tilespmem:s16+$0x1C30] =	vst.add.f32.msk $0xffff, v8  }
0x204: {  	[tilespmem:s16+$0x1C40] =	vst.add.f32.msk $0xffff, v9  }
0x205: {  	[tilespmem:s16+$0x1C50] =	vst.add.f32.msk $0xffff, v10  }
0x206: {  	[tilespmem:s16+$0x1C60] =	vst.add.f32.msk $0xffff, v11  }
0x207: {  	[tilespmem:s16+$0x1C70] =	vst.add.f32.msk $0xffff, v12  }
0x208: {  	[tilespmem:s16+$0x2000] =	vst.add.f32.msk $0xffff, v13  }
.Ltmp5:
0x209: {  	[tilespmem:s16+$0x2010] =	vst.add.f32.msk $0xffff, v14;
	(pc) =	sbr.rel @p1 .LBB2_9-.Ltmp5, $4  }
0x20a: {  	[tilespmem:s16+$0x2020] =	vst.add.f32.msk $0xffff, v15  }
0x20b: {  	[tilespmem:s16+$0x2030] =	vst.add.f32.msk $0xffff, v16  }
0x20c: {  	s17 =	sadd.s32 $0x80, s17;
	[tilespmem:s16+$0x2040] =	vst.add.f32.msk $0xffff, v17  }
0x20d: {  	s19 =	sand.u32 $0x7800, s18;
	s18 =	sadd.s32 $0x100, s18;
	s20 =	sand.u32 $0x380, s17;
	[tilespmem:s16+$0x2050] =	vst.add.f32.msk $0xffff, v18  }
0x20e: {  	s17 =	sor.u32 s20, s19;
	[tilespmem:s16+$0x2060] =	vst.add.f32.msk $0xffff, v4  }
0x20f: {  	v4 =	vld [tilespmem:s17+$0x12070]  }
0x210: {  	v5 =	vld [tilespmem:s17+$0x11C00]  }
0x211: {  	v6 =	vld [tilespmem:s17+$0x11C10]  }
0x212: {  	v7 =	vld [tilespmem:s17+$0x11C20]  }
0x213: {  	v8 =	vld [tilespmem:s17+$0x11C30]  }
0x214: {  	v9 =	vld [tilespmem:s17+$0x11C50]  }
0x215: {  	v10 =	vld [tilespmem:s17+$0x11C60]  }
0x216: {  	v11 =	vld [tilespmem:s17+$0x11C70]  }
0x217: {  	v12 =	vld [tilespmem:s17+$0x12000]  }
0x218: {  	v13 =	vld [tilespmem:s17+$0x12010]  }
0x219: {  	v14 =	vld [tilespmem:s17+$0x12020]  }
0x21a: {  	v15 =	vld [tilespmem:s17+$0x12030]  }
0x21b: {  	v16 =	vld [tilespmem:s17+$0x12040]  }
0x21c: {  	v17 =	vld [tilespmem:s17+$0x12050]  }
0x21d: {  	v18 =	vld [tilespmem:s17+$0x12060]  }
0x21e: {  	[tilespmem:s17+$0x2070] =	vst.add.f32.msk $0xffff, v4  }
0x21f: {  	v4 =	vld [tilespmem:s17+$0x11C40]  }
0x220: {  	[tilespmem:s17+$0x1C00] =	vst.add.f32.msk $0xffff, v5  }
0x221: {  	[tilespmem:s17+$0x1C10] =	vst.add.f32.msk $0xffff, v6  }
0x222: {  	[tilespmem:s17+$0x1C20] =	vst.add.f32.msk $0xffff, v7  }
0x223: {  	[tilespmem:s17+$0x1C30] =	vst.add.f32.msk $0xffff, v8  }
0x224: {  	[tilespmem:s17+$0x1C50] =	vst.add.f32.msk $0xffff, v9  }
0x225: {  	[tilespmem:s17+$0x1C60] =	vst.add.f32.msk $0xffff, v10  }
0x226: {  	[tilespmem:s17+$0x1C70] =	vst.add.f32.msk $0xffff, v11  }
0x227: {  	[tilespmem:s17+$0x2000] =	vst.add.f32.msk $0xffff, v12  }
0x228: {  	[tilespmem:s17+$0x2010] =	vst.add.f32.msk $0xffff, v13  }
0x229: {  	[tilespmem:s17+$0x2020] =	vst.add.f32.msk $0xffff, v14  }
.Ltmp6:
0x22a: {  	[tilespmem:s17+$0x2030] =	vst.add.f32.msk $0xffff, v15;
	(pc) =	sbr.rel @p0 .LBB2_12-.Ltmp6, $4  }
0x22b: {  	[tilespmem:s17+$0x2040] =	vst.add.f32.msk $0xffff, v16  }
0x22c: {  	[tilespmem:s17+$0x2050] =	vst.add.f32.msk $0xffff, v17  }
0x22d: {  	[tilespmem:s17+$0x2060] =	vst.add.f32.msk $0xffff, v18  }
0x22e: {  	[tilespmem:s17+$0x1C40] =	vst.add.f32.msk $0xffff, v4  }
0x22f: {  	s15 =	sshrl.u32 s15, $0x2  }
0x230: {  	v4 =	vld [tilespmem:s15+$0x180];
	_ =	sdelay $0x4  }
0x231: {  	v5 =	vshrl.u32 v4, $0x3  }
0x232: {  	v5 =	vmul.u32 $0x18, v5  }
0x233: {  	v4 =	vand.u32 $0x7, v4  }
0x234: {  	v4 =	vor.u32 v4, v5  }
0x235: {  	v5 =	vperm.xlane v4, v1;
	_ =	sdelay $0x1  }
0x236: {  	v4 =	vperm.xlane v4, v3;
	v5 =	vadd.s32 v2, v5;
	_ =	sdelay $0x1  }
0x237: {  	v4 =	vadd.s32 v2, v4;
	_ =	sdelay $0x2  }
0x238: {  	[tilespmem:s24], [sflag:$0x2] =	stream.indirect_vreg.gather [hbm4b:s3+s2], $0x80, v5, vm0, $0xb8;
	[tilespmem:$0x19C00] =	vst v63  }
0x239: {  	_ = 	snop  }
0x23a: {  	[tilespmem:s25], [sflag:$0x2] =	stream.indirect_vreg.gather [hbm4b:s3+s2], $0x80, v4, vm0, $0xb8;
	[tilespmem:$0x19C00] =	vst v63  }
0x23b: {  	v4 =	vld [tilespmem:s15+$0x190];
	_ =	sdelay $0x4  }
0x23c: {  	v5 =	vshrl.u32 v4, $0x3  }
0x23d: {  	v5 =	vmul.u32 $0x18, v5  }
0x23e: {  	v4 =	vand.u32 $0x7, v4  }
0x23f: {  	v4 =	vor.u32 v4, v5  }
0x240: {  	v5 =	vperm.xlane v4, v1;
	_ =	sdelay $0x1  }
0x241: {  	v4 =	vperm.xlane v4, v3;
	v5 =	vadd.s32 v2, v5;
	_ =	sdelay $0x1  }
0x242: {  	v4 =	vadd.s32 v2, v4;
	_ =	sdelay $0x2  }
0x243: {  	[tilespmem:s26], [sflag:$0x2] =	stream.indirect_vreg.gather [hbm4b:s3+s2], $0x80, v5, vm0, $0xb8;
	[tilespmem:$0x19C00] =	vst v63  }
0x244: {  	_ = 	snop  }
0x245: {  	[tilespmem:s28], [sflag:$0x2] =	stream.indirect_vreg.gather [hbm4b:s3+s2], $0x80, v4, vm0, $0xb8;
	[tilespmem:$0x19C00] =	vst v63  }
0x246: {  	v4 =	vld [tilespmem:s15+$0x1A0];
	_ =	sdelay $0x4  }
0x247: {  	v5 =	vshrl.u32 v4, $0x3  }
0x248: {  	v5 =	vmul.u32 $0x18, v5  }
0x249: {  	v4 =	vand.u32 $0x7, v4  }
0x24a: {  	v4 =	vor.u32 v4, v5  }
0x24b: {  	v5 =	vperm.xlane v4, v1;
	_ =	sdelay $0x1  }
0x24c: {  	v4 =	vperm.xlane v4, v3;
	v5 =	vadd.s32 v2, v5;
	_ =	sdelay $0x1  }
0x24d: {  	v4 =	vadd.s32 v2, v4;
	_ =	sdelay $0x2  }
0x24e: {  	[tilespmem:s29], [sflag:$0x2] =	stream.indirect_vreg.gather [hbm4b:s3+s2], $0x80, v5, vm0, $0xb8;
	[tilespmem:$0x19C00] =	vst v63  }
0x24f: {  	_ = 	snop  }
0x250: {  	[tilespmem:s30], [sflag:$0x2] =	stream.indirect_vreg.gather [hbm4b:s3+s2], $0x80, v4, vm0, $0xb8;
	[tilespmem:$0x19C00] =	vst v63  }
0x251: {  	v4 =	vld [tilespmem:s15+$0x1B0];
	_ =	sdelay $0x4  }
0x252: {  	v5 =	vshrl.u32 v4, $0x3  }
0x253: {  	v5 =	vmul.u32 $0x18, v5  }
0x254: {  	v4 =	vand.u32 $0x7, v4  }
0x255: {  	v4 =	vor.u32 v4, v5  }
0x256: {  	v5 =	vperm.xlane v4, v1;
	_ =	sdelay $0x1  }
0x257: {  	v4 =	vperm.xlane v4, v3;
	v5 =	vadd.s32 v2, v5;
	_ =	sdelay $0x1  }
0x258: {  	v4 =	vadd.s32 v2, v4;
	_ =	sdelay $0x2  }
0x259: {  	[tilespmem:s31], [sflag:$0x2] =	stream.indirect_vreg.gather [hbm4b:s3+s2], $0x80, v5, vm0, $0xb8;
	[tilespmem:$0x19C00] =	vst v63  }
0x25a: {  	_ = 	snop  }
0x25b: {  	[tilespmem:s1], [sflag:$0x2] =	stream.indirect_vreg.gather [hbm4b:s3+s2], $0x80, v4, vm0, $0xb8;
	[tilespmem:$0x19C00] =	vst v63  }
0x25c: {  	v4 =	vld [tilespmem:s15+$0x1C0];
	_ =	sdelay $0x4  }
0x25d: {  	v5 =	vshrl.u32 v4, $0x3  }
0x25e: {  	v5 =	vmul.u32 $0x18, v5  }
0x25f: {  	v4 =	vand.u32 $0x7, v4  }
0x260: {  	v4 =	vor.u32 v4, v5  }
0x261: {  	v5 =	vperm.xlane v4, v1;
	_ =	sdelay $0x1  }
0x262: {  	v4 =	vperm.xlane v4, v3;
	v5 =	vadd.s32 v2, v5;
	_ =	sdelay $0x1  }
0x263: {  	v4 =	vadd.s32 v2, v4;
	_ =	sdelay $0x2  }
0x264: {  	[tilespmem:s0], [sflag:$0x2] =	stream.indirect_vreg.gather [hbm4b:s3+s2], $0x80, v5, vm0, $0xb8;
	[tilespmem:$0x19C00] =	vst v63  }
0x265: {  	_ = 	snop  }
0x266: {  	[tilespmem:s4], [sflag:$0x2] =	stream.indirect_vreg.gather [hbm4b:s3+s2], $0x80, v4, vm0, $0xb8;
	[tilespmem:$0x19C00] =	vst v63  }
0x267: {  	v4 =	vld [tilespmem:s15+$0x1D0];
	_ =	sdelay $0x4  }
0x268: {  	v5 =	vshrl.u32 v4, $0x3  }
0x269: {  	v5 =	vmul.u32 $0x18, v5  }
0x26a: {  	v4 =	vand.u32 $0x7, v4  }
0x26b: {  	v4 =	vor.u32 v4, v5  }
0x26c: {  	v5 =	vperm.xlane v4, v1;
	_ =	sdelay $0x1  }
0x26d: {  	v4 =	vperm.xlane v4, v3;
	v5 =	vadd.s32 v2, v5;
	_ =	sdelay $0x1  }
0x26e: {  	v4 =	vadd.s32 v2, v4;
	_ =	sdelay $0x2  }
0x26f: {  	[tilespmem:s5], [sflag:$0x2] =	stream.indirect_vreg.gather [hbm4b:s3+s2], $0x80, v5, vm0, $0xb8;
	[tilespmem:$0x19C00] =	vst v63  }
0x270: {  	_ = 	snop  }
0x271: {  	[tilespmem:s6], [sflag:$0x2] =	stream.indirect_vreg.gather [hbm4b:s3+s2], $0x80, v4, vm0, $0xb8;
	[tilespmem:$0x19C00] =	vst v63  }
0x272: {  	v4 =	vld [tilespmem:s15+$0x1E0];
	_ =	sdelay $0x4  }
0x273: {  	v5 =	vshrl.u32 v4, $0x3  }
0x274: {  	v5 =	vmul.u32 $0x18, v5  }
0x275: {  	v4 =	vand.u32 $0x7, v4  }
0x276: {  	v4 =	vor.u32 v4, v5  }
0x277: {  	v5 =	vperm.xlane v4, v1;
	_ =	sdelay $0x1  }
0x278: {  	v4 =	vperm.xlane v4, v3;
	v5 =	vadd.s32 v2, v5;
	_ =	sdelay $0x1  }
0x279: {  	v4 =	vadd.s32 v2, v4;
	_ =	sdelay $0x2  }
0x27a: {  	[tilespmem:s7], [sflag:$0x2] =	stream.indirect_vreg.gather [hbm4b:s3+s2], $0x80, v5, vm0, $0xb8;
	[tilespmem:$0x19C00] =	vst v63  }
0x27b: {  	_ = 	snop  }
0x27c: {  	[tilespmem:s8], [sflag:$0x2] =	stream.indirect_vreg.gather [hbm4b:s3+s2], $0x80, v4, vm0, $0xb8;
	[tilespmem:$0x19C00] =	vst v63  }
0x27d: {  	v4 =	vld [tilespmem:s15+$0x1F0];
	_ =	sdelay $0x4  }
0x27e: {  	v5 =	vshrl.u32 v4, $0x3  }
0x27f: {  	v5 =	vmul.u32 $0x18, v5  }
0x280: {  	v4 =	vand.u32 $0x7, v4  }
0x281: {  	v4 =	vor.u32 v4, v5  }
0x282: {  	v5 =	vperm.xlane v4, v1;
	_ =	sdelay $0x1  }
0x283: {  	v4 =	vperm.xlane v4, v3;
	v5 =	vadd.s32 v2, v5;
	_ =	sdelay $0x1  }
0x284: {  	v4 =	vadd.s32 v2, v4  }
.Ltmp7:
0x285: {  	_ = 	snop;
	(pc) =	sbr.rel .LBB2_4-.Ltmp7, $4  }
0x286: {  	_ = 	snop  }
0x287: {  	[tilespmem:s9], [sflag:$0x2] =	stream.indirect_vreg.gather [hbm4b:s3+s2], $0x80, v5, vm0, $0xb8;
	[tilespmem:$0x19C00] =	vst v63  }
0x288: {  	s14 =	sadd.s32 $0x1, s14  }
0x289: {  	[tilespmem:s10], [sflag:$0x2] =	stream.indirect_vreg.gather [hbm4b:s3+s2], $0x80, v4, vm0, $0xb8;
	[tilespmem:$0x19C00] =	vst v63  }
.LBB2_13:
0x28a: {  	_ =	sfence.sel $0x180000  }
0x28b: {  	[bflag:$0x0] =	sbarrier.arrive $0xFFFF  }
0x28c: {  	_ =	strace $0x90000047  }
0x28d: {  	s0 =	stileid.u32;
	[bflag:$0x2] =	sbarrier.arrive $0xFFFF  }
0x28e: {  	p0 =	sne.s32 s0, $0x0;
	s0 =	rddreg [dreg:$0x3]  }
0x28f: {  	s0 =	sadd.s32 @!p0 $0x100000, s0  }
0x290: {  	[sflag:s0] =	ssyncadd.tile.s32 @!p0 $0x1;
	_ =	shalt  }
.Lfunc_end2:
_tile_overlayer_lowered:
.L_overlay_start_2:
0x291: {  	(tag) =	ssettag $0x2  }
0x292: {  	s0 =	rddreg [dreg:$0x0];
	s2 =	stileid.u32  }
0x293: {  	s1 =	rddreg [dreg:$0x1];
	p0 =	sne.s32 s2, $0x0  }
0x294: {  	s3 =	rddreg [dreg:$0x2];
	[bflag:$0x3] =	sbarrier.arrive $0xFFFF;
	s2 =	simm.s32 @!p0 $0x1C03  }
0x295: {  	[timem:s3], [sflag:s2] =	dma.local @!p0 [hbm:s0], s1  }
0x296: {  	s0 =	simm.s32 @!p0 $0x3  }
0x297: {  	_ =	swait.ge @!p0 [sflag:s0], s1  }
0x298: {  	s1 =	ssub.s32 @!p0 $0x0, s1;
	[sflag:s0] =	ssyncset.done @!p0 $0x0  }
0x299: {  	[sflag:s0] =	ssyncadd.s32 @!p0 s1  }
0x29a: {  	[bflag:$0x3] =	sbarrier.arrive $0xFFFF  }
0x29b: {  	_ =	shalt  }

</sc_bundles>
